<compile_context>
chip_gen: v7x
topology: tpu7x:2x2x1
jax: 0.10.2.dev20260603
libtpu: 0.0.44.dev20260713+nightly
codegen_flags: <defaults>
</compile_context>

<pallas_src>
import functools

import jax
import jax.numpy as jnp
from jax import lax
from jax.experimental import pallas as pl
from jax.experimental.pallas import tpu as pltpu
from jax.experimental.pallas import tpu_sc as plsc

N = 10000
E = 320000
D = 128

NSC = 2
NT = 16
NP = 10240
RPT = NP // NT
CH = 128
KCH = 160
BC = 8
KB = KCH // BC
EP = NT * KCH * CH

_mesh = plsc.VectorSubcoreMesh(core_axis_name="c", subcore_axis_name="s")


@functools.partial(
    pl.kernel,
    out_type=jax.ShapeDtypeStruct((NSC, NP), jnp.float32),
    mesh=_mesh,
    scratch_types=[
        pltpu.VMEM((BC, CH), jnp.int32),
        pltpu.VMEM((CH,), jnp.float32),
        pltpu.SemaphoreType.DMA,
        pltpu.VMEM_SHARED((NP,), jnp.float32),
    ],
)
def _deg_kernel(dst_hbm, ones_hbm, zeros_hbm, deg_out, idx_v, ones_v, sem, deg_sh):
    c = lax.axis_index("c")
    s = lax.axis_index("s")
    pltpu.sync_copy(ones_hbm, ones_v)
    pltpu.sync_copy(zeros_hbm, deg_sh.at[pl.ds(s * RPT, RPT)])
    plsc.subcore_barrier()

    def blk(ib, carry):
        pltpu.sync_copy(dst_hbm.at[c, s, pl.ds(ib * BC, BC)], idx_v)
        for j in range(BC):
            pltpu.sync_copy(ones_v, deg_sh.at[idx_v.at[j]], add=True)
        return carry

    lax.fori_loop(0, KB, blk, 0)
    plsc.subcore_barrier()
    pltpu.sync_copy(deg_sh.at[pl.ds(s * RPT, RPT)], deg_out.at[c, pl.ds(s * RPT, RPT)])


@functools.partial(
    pl.kernel,
    out_type=jax.ShapeDtypeStruct((NSC * NP, D), jnp.float32),
    mesh=_mesh,
    scratch_types=[
        pltpu.VMEM((2, BC, CH), jnp.int32),
        pltpu.VMEM((2, BC, CH), jnp.int32),
        pltpu.VMEM((CH, D), jnp.float32),
        pltpu.VMEM((CH, D), jnp.float32),
        pltpu.SemaphoreType.DMA,
        pltpu.SemaphoreType.DMA,
        pltpu.SemaphoreType.DMA,
        pltpu.VMEM_SHARED((NP, D), jnp.float32),
    ],
)
def _agg_kernel(y_hbm, src_hbm, dst_hbm, zrow_hbm, agg_out,
                idxs_v, idxd_v, rb0, rb1, sg0, sg1, si, agg_sh):
    c = lax.axis_index("c")
    s = lax.axis_index("s")
    rbs = (rb0, rb1)
    sgs = (sg0, sg1)

    pltpu.sync_copy(src_hbm.at[c, s, pl.ds(0, BC)], idxs_v.at[0])
    pltpu.sync_copy(dst_hbm.at[c, s, pl.ds(0, BC)], idxd_v.at[0])
    pltpu.async_copy(src_hbm.at[c, s, pl.ds(BC, BC)], idxs_v.at[1], si)
    pltpu.async_copy(dst_hbm.at[c, s, pl.ds(BC, BC)], idxd_v.at[1], si)
    pltpu.async_copy(y_hbm.at[idxs_v.at[0, 0]], rb0, sg0)
    pltpu.sync_copy(zrow_hbm, agg_sh.at[pl.ds(s * RPT, RPT)])
    plsc.subcore_barrier()

    def blk(ib, carry):
        par = lax.rem(ib, 2)
        for j in range(BC):
            p = j % 2
            pltpu.make_async_copy(
                y_hbm.at[idxs_v.at[par, j]], rbs[p], sgs[p]).wait()
            if j + 1 < BC:
                pltpu.async_copy(
                    y_hbm.at[idxs_v.at[par, j + 1]], rbs[1 - p], sgs[1 - p])
            pltpu.sync_copy(rbs[p], agg_sh.at[idxd_v.at[par, j]], add=True)

        @pl.when(ib + 1 < KB)
        def _next_block():
            pltpu.make_async_copy(
                src_hbm.at[c, s, pl.ds((ib + 1) * BC, BC)],
                idxs_v.at[1 - par], si).wait()
            pltpu.make_async_copy(
                dst_hbm.at[c, s, pl.ds((ib + 1) * BC, BC)],
                idxd_v.at[1 - par], si).wait()

            @pl.when(ib + 2 < KB)
            def _prefetch():
                pltpu.async_copy(src_hbm.at[c, s, pl.ds((ib + 2) * BC, BC)],
                                 idxs_v.at[par], si)
                pltpu.async_copy(dst_hbm.at[c, s, pl.ds((ib + 2) * BC, BC)],
                                 idxd_v.at[par], si)

            pltpu.async_copy(y_hbm.at[idxs_v.at[1 - par, 0]], rb0, sg0)
        return carry

    lax.fori_loop(0, KB, blk, 0)
    plsc.subcore_barrier()
    pltpu.sync_copy(agg_sh.at[pl.ds(s * RPT, RPT)],
                    agg_out.at[pl.ds(c * NP + s * RPT, RPT)])


_BM = 256


def _prep_body(x_ref, deg_ref, w_ref, y_ref, dis_ref):
    dis = lax.rsqrt(deg_ref[...] + 1.0)
    xw = jnp.dot(x_ref[...], w_ref[...], preferred_element_type=jnp.float32)
    y_ref[...] = xw * dis
    dis_ref[...] = dis


def _prep_call(xcat, deg2d, W):
    grid = (NSC * NP) // _BM
    return pl.pallas_call(
        _prep_body,
        grid=(grid,),
        in_specs=[
            pl.BlockSpec((_BM, D), lambda i: (i, 0)),
            pl.BlockSpec((_BM, 1), lambda i: (i, 0)),
            pl.BlockSpec((D, D), lambda i: (0, 0)),
        ],
        out_specs=[
            pl.BlockSpec((_BM, D), lambda i: (i, 0)),
            pl.BlockSpec((_BM, 1), lambda i: (i, 0)),
        ],
        out_shape=[
            jax.ShapeDtypeStruct((NSC * NP, D), jnp.float32),
            jax.ShapeDtypeStruct((NSC * NP, 1), jnp.float32),
        ],
    )(xcat, deg2d, W)


def _finish_body(agg_ref, y_ref, dis_ref, b_ref, out_ref):
    out_ref[...] = jnp.maximum(
        dis_ref[...] * (agg_ref[...] + y_ref[...]) + b_ref[...], 0.0)


def _finish_call(agg, y, dis, b2d):
    grid = (NSC * NP) // _BM
    return pl.pallas_call(
        _finish_body,
        grid=(grid,),
        in_specs=[
            pl.BlockSpec((_BM, D), lambda i: (i, 0)),
            pl.BlockSpec((_BM, D), lambda i: (i, 0)),
            pl.BlockSpec((_BM, 1), lambda i: (i, 0)),
            pl.BlockSpec((1, D), lambda i: (0, 0)),
        ],
        out_specs=pl.BlockSpec((_BM, D), lambda i: (i, 0)),
        out_shape=jax.ShapeDtypeStruct((NSC * NP, D), jnp.float32),
    )(agg, y, dis, b2d)


def _prep_edges(edge_index, g):
    src = edge_index[0].astype(jnp.int32)
    dst = edge_index[1].astype(jnp.int32)
    padlen = EP - E
    src = jnp.concatenate(
        [src + g * NP, jnp.full((padlen,), g * NP + N, jnp.int32)])
    dst = jnp.concatenate([dst, jnp.full((padlen,), N, jnp.int32)])
    return src.reshape(NT, KCH, CH), dst.reshape(NT, KCH, CH)


def kernel(x1, edge_index1, x2, edge_index2, W, b):
    s1, d1 = _prep_edges(edge_index1, 0)
    s2, d2 = _prep_edges(edge_index2, 1)
    src = jnp.stack([s1, s2])
    dst = jnp.stack([d1, d2])
    zpad = jnp.zeros((NP - N, D), jnp.float32)
    xcat = jnp.concatenate([x1, zpad, x2, zpad])

    ones_ch = jnp.ones((CH,), jnp.float32)
    zeros_r = jnp.zeros((RPT,), jnp.float32)
    zeros_rd = jnp.zeros((RPT, D), jnp.float32)

    deg = _deg_kernel(dst, ones_ch, zeros_r)
    y, dis = _prep_call(xcat, deg.reshape(NSC * NP, 1), W)
    agg = _agg_kernel(y, src, dst, zeros_rd)
    out = _finish_call(agg, y, dis, b.reshape(1, D))
    return out[:N], out[NP:NP + N]

# --- scband reference (transcript-rebuilt; emitter-appended) ---
"""Pipeline reference for scband-spectral-gcn-4389456577462 (READ-ONLY COPY).

The authoritative reference and input builder live on the scoring server;
editing this copy changes nothing except your own understanding.
"""

import jax, jax.numpy as jnp
import numpy as np

N = 10000
E = 320000
D_IN = 128
D_OUT = 128


def gcn_conv(x, edge_index, W, b):
    # PyG GCNConv with default add_self_loops=True, normalize=True, edge_weight=None
    n = x.shape[0]
    src = edge_index[0]
    dst = edge_index[1]
    loop = jnp.arange(n, dtype=src.dtype)
    src = jnp.concatenate([src, loop])
    dst = jnp.concatenate([dst, loop])
    ew = jnp.ones(src.shape[0], dtype=x.dtype)
    # linear transform first (GCNConv applies lin before propagate)
    xw = x @ W
    # symmetric normalization: deg computed on dst (col) with self-loops
    deg = jax.ops.segment_sum(ew, dst, num_segments=n)
    deg_inv_sqrt = jnp.where(deg > 0, 1.0 / jnp.sqrt(deg), 0.0)
    norm = deg_inv_sqrt[src] * ew * deg_inv_sqrt[dst]
    msg = xw[src] * norm[:, None]
    out = jax.ops.segment_sum(msg, dst, num_segments=n)
    return out + b


def setup_inputs(seed: int = 0) -> dict:
    key = jax.random.key(seed)
    k1, k2, k3, k4, k5, k6 = jax.random.split(key, 6)
    x1 = jax.random.normal(k1, (N, D_IN), dtype=jnp.float32)
    x2 = jax.random.normal(k2, (N, D_IN), dtype=jnp.float32)
    edge_index1 = jax.random.randint(k3, (2, E), 0, N, dtype=jnp.int64 if jax.config.read('jax_enable_x64') else jnp.int32)
    edge_index2 = jax.random.randint(k4, (2, E), 0, N, dtype=jnp.int64 if jax.config.read('jax_enable_x64') else jnp.int32)
    # GCNConv learned params (glorot for weight, zeros for bias)
    limit = float(np.sqrt(6.0 / (D_IN + D_OUT)))
    W = jax.random.uniform(k5, (D_IN, D_OUT), dtype=jnp.float32, minval=-limit, maxval=limit)
    b = jnp.zeros((D_OUT,), dtype=jnp.float32)
    return {"x1": x1, "edge_index1": edge_index1, "x2": x2, "edge_index2": edge_index2, "W": W, "b": b}


def reference(x1, edge_index1, x2, edge_index2, W, b):
    # num_hidden_layers=0 -> single shared GCNConv applied to both graphs, then ReLU
    h1 = jax.nn.relu(gcn_conv(x1, edge_index1, W, b))
    h2 = jax.nn.relu(gcn_conv(x2, edge_index2, W, b))
    return (h1, h2)

if __name__ == "__main__":
    import jax
    _d = setup_inputs()
    print(jax.jit(kernel)(*tuple(_d.values())))

</pallas_src>

<mosaic_0001>
#map = affine_map<(d0, d1) -> (0, 0)>
#map1 = affine_map<(d0, d1) -> (0, 0, 0, 0)>
module attributes {stable_mosaic.version = 14 : i64} {
  func.func @_agg_kernel(%arg0: i32, %arg1: i32, %arg2: memref<20480x128xf32, #tpu.memory_space<hbm>>, %arg3: memref<2x16x160x128xi32, #tpu.memory_space<hbm>>, %arg4: memref<2x16x160x128xi32, #tpu.memory_space<hbm>>, %arg5: memref<640x128xf32, #tpu.memory_space<hbm>>, %arg6: memref<20480x128xf32, #tpu.memory_space<hbm>>, %arg7: memref<2x8x128xi32, #tpu.memory_space<vmem>>, %arg8: memref<2x8x128xi32, #tpu.memory_space<vmem>>, %arg9: memref<128x128xf32, #tpu.memory_space<vmem>>, %arg10: memref<128x128xf32, #tpu.memory_space<vmem>>, %arg11: memref<!tpu.dma_semaphore, #tpu.memory_space<semaphore_mem>>, %arg12: memref<!tpu.dma_semaphore, #tpu.memory_space<semaphore_mem>>, %arg13: memref<!tpu.dma_semaphore, #tpu.memory_space<semaphore_mem>>, %arg14: memref<10240x128xf32, #tpu.memory_space<vmem_shared>>) attributes {dimension_semantics = [#tpu.dimension_semantics<core_parallel>, #tpu.dimension_semantics<subcore_parallel>], iteration_bounds = array<i64: 2, 16>, scalar_prefetch = 0 : i64, scratch_operands = 8 : i64, tpu.core_type = #tpu.core_type<sc_vector_subcore>, window_params = [{transform_indices = #map}, {transform_indices = #map1}, {transform_indices = #map1}, {transform_indices = #map}, {transform_indices = #map}]} {
    %run_scoped3A = arith.constant 0 : i32
    "tpu.region"() ({
      %run_scoped3A_55 = tpu.sem_alloc : memref<!tpu.dma_semaphore, #tpu.memory_space<semaphore_mem>>
      %dma_start3A_56 = arith.constant 0 : i32
      %dma_start3A_57 = arith.constant 0 : i32
      %dma_start3A_58 = tpu.memref_slice %arg7[%run_scoped3A, %dma_start3A_56, %dma_start3A_57] : memref<2x8x128xi32, #tpu.memory_space<vmem>> -> memref<1x8x128xi32, #tpu.memory_space<vmem>>
      %dma_start3A_59 = tpu.memref_squeeze %dma_start3A_58 : memref<1x8x128xi32, #tpu.memory_space<vmem>> -> memref<8x128xi32, #tpu.memory_space<vmem>>
      %dma_start3A_60 = arith.constant 0 : i32
      %dma_start3A_61 = arith.constant 0 : i32
      %dma_start3A_62 = tpu.memref_slice %arg3[%arg0, %arg1, %dma_start3A_60, %dma_start3A_61] : memref<2x16x160x128xi32, #tpu.memory_space<hbm>> -> memref<1x1x8x128xi32, #tpu.memory_space<hbm>>
      %dma_start3A_63 = tpu.memref_squeeze %dma_start3A_62 : memref<1x1x8x128xi32, #tpu.memory_space<hbm>> -> memref<8x128xi32, #tpu.memory_space<hbm>>
      %dma_start3A_64 = arith.constant 0 : i32
      %dma_start3A_65 = arith.constant 0 : i32
      %dma_start3A_66 = tpu.memref_slice %arg7[%run_scoped3A, %dma_start3A_64, %dma_start3A_65] : memref<2x8x128xi32, #tpu.memory_space<vmem>> -> memref<1x8x128xi32, #tpu.memory_space<vmem>>
      %dma_start3A_67 = tpu.memref_squeeze %dma_start3A_66 : memref<1x8x128xi32, #tpu.memory_space<vmem>> -> memref<8x128xi32, #tpu.memory_space<vmem>>
      %dma_start3A_68 = arith.constant 0 : i32
      %dma_start3A_69 = arith.constant 0 : i32
      %dma_start3A_70 = tpu.memref_slice %arg3[%arg0, %arg1, %dma_start3A_68, %dma_start3A_69] : memref<2x16x160x128xi32, #tpu.memory_space<hbm>> -> memref<1x1x8x128xi32, #tpu.memory_space<hbm>>
      %dma_start3A_71 = tpu.memref_squeeze %dma_start3A_70 : memref<1x1x8x128xi32, #tpu.memory_space<hbm>> -> memref<8x128xi32, #tpu.memory_space<hbm>>
      tpu.enqueue_dma source(%dma_start3A_71 : memref<8x128xi32, #tpu.memory_space<hbm>>) target(%dma_start3A_67 : memref<8x128xi32, #tpu.memory_space<vmem>>) target_semaphore(%run_scoped3A_55 : memref<!tpu.dma_semaphore, #tpu.memory_space<semaphore_mem>>)
      %dma_wait3A = arith.constant 0 : i32
      %dma_wait3A_72 = arith.constant 0 : i32
      %dma_wait3A_73 = tpu.memref_slice %arg7[%run_scoped3A, %dma_wait3A, %dma_wait3A_72] : memref<2x8x128xi32, #tpu.memory_space<vmem>> -> memref<1x8x128xi32, #tpu.memory_space<vmem>>
      %dma_wait3A_74 = tpu.memref_squeeze %dma_wait3A_73 : memref<1x8x128xi32, #tpu.memory_space<vmem>> -> memref<8x128xi32, #tpu.memory_space<vmem>>
      %dma_wait3A_75 = arith.constant 0 : i32
      %dma_wait3A_76 = arith.constant 0 : i32
      %dma_wait3A_77 = tpu.memref_slice %arg3[%arg0, %arg1, %dma_wait3A_75, %dma_wait3A_76] : memref<2x16x160x128xi32, #tpu.memory_space<hbm>> -> memref<1x1x8x128xi32, #tpu.memory_space<hbm>>
      %dma_wait3A_78 = tpu.memref_squeeze %dma_wait3A_77 : memref<1x1x8x128xi32, #tpu.memory_space<hbm>> -> memref<8x128xi32, #tpu.memory_space<hbm>>
      %dma_wait3A_79 = arith.constant 0 : i32
      %dma_wait3A_80 = arith.constant 0 : i32
      %dma_wait3A_81 = tpu.memref_slice %arg7[%run_scoped3A, %dma_wait3A_79, %dma_wait3A_80] : memref<2x8x128xi32, #tpu.memory_space<vmem>> -> memref<1x8x128xi32, #tpu.memory_space<vmem>>
      %dma_wait3A_82 = tpu.memref_squeeze %dma_wait3A_81 : memref<1x8x128xi32, #tpu.memory_space<vmem>> -> memref<8x128xi32, #tpu.memory_space<vmem>>
      %dma_wait3A_83 = arith.constant 0 : i32
      %dma_wait3A_84 = arith.constant 0 : i32
      %dma_wait3A_85 = tpu.memref_slice %arg3[%arg0, %arg1, %dma_wait3A_83, %dma_wait3A_84] : memref<2x16x160x128xi32, #tpu.memory_space<hbm>> -> memref<1x1x8x128xi32, #tpu.memory_space<hbm>>
      %dma_wait3A_86 = tpu.memref_squeeze %dma_wait3A_85 : memref<1x1x8x128xi32, #tpu.memory_space<hbm>> -> memref<8x128xi32, #tpu.memory_space<hbm>>
      tpu.wait_dma2 semaphore(%run_scoped3A_55 : memref<!tpu.dma_semaphore, #tpu.memory_space<semaphore_mem>>) src(%dma_wait3A_86 : memref<8x128xi32, #tpu.memory_space<hbm>>) dst(%dma_wait3A_82 : memref<8x128xi32, #tpu.memory_space<vmem>>)
      tpu.yield
    }) : () -> ()
    %run_scoped3A_0 = arith.constant 0 : i32
    "tpu.region"() ({
      %run_scoped3A_55 = tpu.sem_alloc : memref<!tpu.dma_semaphore, #tpu.memory_space<semaphore_mem>>
      %dma_start3A_56 = arith.constant 0 : i32
      %dma_start3A_57 = arith.constant 0 : i32
      %dma_start3A_58 = tpu.memref_slice %arg8[%run_scoped3A_0, %dma_start3A_56, %dma_start3A_57] : memref<2x8x128xi32, #tpu.memory_space<vmem>> -> memref<1x8x128xi32, #tpu.memory_space<vmem>>
      %dma_start3A_59 = tpu.memref_squeeze %dma_start3A_58 : memref<1x8x128xi32, #tpu.memory_space<vmem>> -> memref<8x128xi32, #tpu.memory_space<vmem>>
      %dma_start3A_60 = arith.constant 0 : i32
      %dma_start3A_61 = arith.constant 0 : i32
      %dma_start3A_62 = tpu.memref_slice %arg4[%arg0, %arg1, %dma_start3A_60, %dma_start3A_61] : memref<2x16x160x128xi32, #tpu.memory_space<hbm>> -> memref<1x1x8x128xi32, #tpu.memory_space<hbm>>
      %dma_start3A_63 = tpu.memref_squeeze %dma_start3A_62 : memref<1x1x8x128xi32, #tpu.memory_space<hbm>> -> memref<8x128xi32, #tpu.memory_space<hbm>>
      %dma_start3A_64 = arith.constant 0 : i32
      %dma_start3A_65 = arith.constant 0 : i32
      %dma_start3A_66 = tpu.memref_slice %arg8[%run_scoped3A_0, %dma_start3A_64, %dma_start3A_65] : memref<2x8x128xi32, #tpu.memory_space<vmem>> -> memref<1x8x128xi32, #tpu.memory_space<vmem>>
      %dma_start3A_67 = tpu.memref_squeeze %dma_start3A_66 : memref<1x8x128xi32, #tpu.memory_space<vmem>> -> memref<8x128xi32, #tpu.memory_space<vmem>>
      %dma_start3A_68 = arith.constant 0 : i32
      %dma_start3A_69 = arith.constant 0 : i32
      %dma_start3A_70 = tpu.memref_slice %arg4[%arg0, %arg1, %dma_start3A_68, %dma_start3A_69] : memref<2x16x160x128xi32, #tpu.memory_space<hbm>> -> memref<1x1x8x128xi32, #tpu.memory_space<hbm>>
      %dma_start3A_71 = tpu.memref_squeeze %dma_start3A_70 : memref<1x1x8x128xi32, #tpu.memory_space<hbm>> -> memref<8x128xi32, #tpu.memory_space<hbm>>
      tpu.enqueue_dma source(%dma_start3A_71 : memref<8x128xi32, #tpu.memory_space<hbm>>) target(%dma_start3A_67 : memref<8x128xi32, #tpu.memory_space<vmem>>) target_semaphore(%run_scoped3A_55 : memref<!tpu.dma_semaphore, #tpu.memory_space<semaphore_mem>>)
      %dma_wait3A = arith.constant 0 : i32
      %dma_wait3A_72 = arith.constant 0 : i32
      %dma_wait3A_73 = tpu.memref_slice %arg8[%run_scoped3A_0, %dma_wait3A, %dma_wait3A_72] : memref<2x8x128xi32, #tpu.memory_space<vmem>> -> memref<1x8x128xi32, #tpu.memory_space<vmem>>
      %dma_wait3A_74 = tpu.memref_squeeze %dma_wait3A_73 : memref<1x8x128xi32, #tpu.memory_space<vmem>> -> memref<8x128xi32, #tpu.memory_space<vmem>>
      %dma_wait3A_75 = arith.constant 0 : i32
      %dma_wait3A_76 = arith.constant 0 : i32
      %dma_wait3A_77 = tpu.memref_slice %arg4[%arg0, %arg1, %dma_wait3A_75, %dma_wait3A_76] : memref<2x16x160x128xi32, #tpu.memory_space<hbm>> -> memref<1x1x8x128xi32, #tpu.memory_space<hbm>>
      %dma_wait3A_78 = tpu.memref_squeeze %dma_wait3A_77 : memref<1x1x8x128xi32, #tpu.memory_space<hbm>> -> memref<8x128xi32, #tpu.memory_space<hbm>>
      %dma_wait3A_79 = arith.constant 0 : i32
      %dma_wait3A_80 = arith.constant 0 : i32
      %dma_wait3A_81 = tpu.memref_slice %arg8[%run_scoped3A_0, %dma_wait3A_79, %dma_wait3A_80] : memref<2x8x128xi32, #tpu.memory_space<vmem>> -> memref<1x8x128xi32, #tpu.memory_space<vmem>>
      %dma_wait3A_82 = tpu.memref_squeeze %dma_wait3A_81 : memref<1x8x128xi32, #tpu.memory_space<vmem>> -> memref<8x128xi32, #tpu.memory_space<vmem>>
      %dma_wait3A_83 = arith.constant 0 : i32
      %dma_wait3A_84 = arith.constant 0 : i32
      %dma_wait3A_85 = tpu.memref_slice %arg4[%arg0, %arg1, %dma_wait3A_83, %dma_wait3A_84] : memref<2x16x160x128xi32, #tpu.memory_space<hbm>> -> memref<1x1x8x128xi32, #tpu.memory_space<hbm>>
      %dma_wait3A_86 = tpu.memref_squeeze %dma_wait3A_85 : memref<1x1x8x128xi32, #tpu.memory_space<hbm>> -> memref<8x128xi32, #tpu.memory_space<hbm>>
      tpu.wait_dma2 semaphore(%run_scoped3A_55 : memref<!tpu.dma_semaphore, #tpu.memory_space<semaphore_mem>>) src(%dma_wait3A_86 : memref<8x128xi32, #tpu.memory_space<hbm>>) dst(%dma_wait3A_82 : memref<8x128xi32, #tpu.memory_space<vmem>>)
      tpu.yield
    }) : () -> ()
    %dma_start3A = arith.constant 1 : i32
    %dma_start3A_1 = arith.constant 0 : i32
    %dma_start3A_2 = arith.constant 0 : i32
    %dma_start3A_3 = tpu.memref_slice %arg7[%dma_start3A, %dma_start3A_1, %dma_start3A_2] : memref<2x8x128xi32, #tpu.memory_space<vmem>> -> memref<1x8x128xi32, #tpu.memory_space<vmem>>
    %dma_start3A_4 = tpu.memref_squeeze %dma_start3A_3 : memref<1x8x128xi32, #tpu.memory_space<vmem>> -> memref<8x128xi32, #tpu.memory_space<vmem>>
    %dma_start3A_5 = arith.constant 8 : i32
    %dma_start3A_6 = arith.constant 0 : i32
    %dma_start3A_7 = tpu.memref_slice %arg3[%arg0, %arg1, %dma_start3A_5, %dma_start3A_6] : memref<2x16x160x128xi32, #tpu.memory_space<hbm>> -> memref<1x1x8x128xi32, #tpu.memory_space<hbm>>
    %dma_start3A_8 = tpu.memref_squeeze %dma_start3A_7 : memref<1x1x8x128xi32, #tpu.memory_space<hbm>> -> memref<8x128xi32, #tpu.memory_space<hbm>>
    %dma_start3A_9 = arith.constant 0 : i32
    %dma_start3A_10 = arith.constant 0 : i32
    %dma_start3A_11 = tpu.memref_slice %arg7[%dma_start3A, %dma_start3A_9, %dma_start3A_10] : memref<2x8x128xi32, #tpu.memory_space<vmem>> -> memref<1x8x128xi32, #tpu.memory_space<vmem>>
    %dma_start3A_12 = tpu.memref_squeeze %dma_start3A_11 : memref<1x8x128xi32, #tpu.memory_space<vmem>> -> memref<8x128xi32, #tpu.memory_space<vmem>>
    %dma_start3A_13 = arith.constant 8 : i32
    %dma_start3A_14 = arith.constant 0 : i32
    %dma_start3A_15 = tpu.memref_slice %arg3[%arg0, %arg1, %dma_start3A_13, %dma_start3A_14] : memref<2x16x160x128xi32, #tpu.memory_space<hbm>> -> memref<1x1x8x128xi32, #tpu.memory_space<hbm>>
    %dma_start3A_16 = tpu.memref_squeeze %dma_start3A_15 : memref<1x1x8x128xi32, #tpu.memory_space<hbm>> -> memref<8x128xi32, #tpu.memory_space<hbm>>
    tpu.enqueue_dma source(%dma_start3A_16 : memref<8x128xi32, #tpu.memory_space<hbm>>) target(%dma_start3A_12 : memref<8x128xi32, #tpu.memory_space<vmem>>) target_semaphore(%arg13 : memref<!tpu.dma_semaphore, #tpu.memory_space<semaphore_mem>>)
    %dma_start3A_17 = arith.constant 1 : i32
    %dma_start3A_18 = arith.constant 0 : i32
    %dma_start3A_19 = arith.constant 0 : i32
    %dma_start3A_20 = tpu.memref_slice %arg8[%dma_start3A_17, %dma_start3A_18, %dma_start3A_19] : memref<2x8x128xi32, #tpu.memory_space<vmem>> -> memref<1x8x128xi32, #tpu.memory_space<vmem>>
    %dma_start3A_21 = tpu.memref_squeeze %dma_start3A_20 : memref<1x8x128xi32, #tpu.memory_space<vmem>> -> memref<8x128xi32, #tpu.memory_space<vmem>>
    %dma_start3A_22 = arith.constant 8 : i32
    %dma_start3A_23 = arith.constant 0 : i32
    %dma_start3A_24 = tpu.memref_slice %arg4[%arg0, %arg1, %dma_start3A_22, %dma_start3A_23] : memref<2x16x160x128xi32, #tpu.memory_space<hbm>> -> memref<1x1x8x128xi32, #tpu.memory_space<hbm>>
    %dma_start3A_25 = tpu.memref_squeeze %dma_start3A_24 : memref<1x1x8x128xi32, #tpu.memory_space<hbm>> -> memref<8x128xi32, #tpu.memory_space<hbm>>
    %dma_start3A_26 = arith.constant 0 : i32
    %dma_start3A_27 = arith.constant 0 : i32
    %dma_start3A_28 = tpu.memref_slice %arg8[%dma_start3A_17, %dma_start3A_26, %dma_start3A_27] : memref<2x8x128xi32, #tpu.memory_space<vmem>> -> memref<1x8x128xi32, #tpu.memory_space<vmem>>
    %dma_start3A_29 = tpu.memref_squeeze %dma_start3A_28 : memref<1x8x128xi32, #tpu.memory_space<vmem>> -> memref<8x128xi32, #tpu.memory_space<vmem>>
    %dma_start3A_30 = arith.constant 8 : i32
    %dma_start3A_31 = arith.constant 0 : i32
    %dma_start3A_32 = tpu.memref_slice %arg4[%arg0, %arg1, %dma_start3A_30, %dma_start3A_31] : memref<2x16x160x128xi32, #tpu.memory_space<hbm>> -> memref<1x1x8x128xi32, #tpu.memory_space<hbm>>
    %dma_start3A_33 = tpu.memref_squeeze %dma_start3A_32 : memref<1x1x8x128xi32, #tpu.memory_space<hbm>> -> memref<8x128xi32, #tpu.memory_space<hbm>>
    tpu.enqueue_dma source(%dma_start3A_33 : memref<8x128xi32, #tpu.memory_space<hbm>>) target(%dma_start3A_29 : memref<8x128xi32, #tpu.memory_space<vmem>>) target_semaphore(%arg13 : memref<!tpu.dma_semaphore, #tpu.memory_space<semaphore_mem>>)
    %dma_start3A_34 = arith.constant 0 : i32
    %dma_start3A_35 = arith.constant 0 : i32
    %dma_start3A_36 = arith.constant 0 : i32
    %dma_start3A_37 = tpu.memref_slice %arg7[%dma_start3A_34, %dma_start3A_35, %dma_start3A_36] : memref<2x8x128xi32, #tpu.memory_space<vmem>> -> memref<1x1x128xi32, #tpu.memory_space<vmem>>
    %dma_start3A_38 = tpu.memref_squeeze %dma_start3A_37 : memref<1x1x128xi32, #tpu.memory_space<vmem>> -> memref<128xi32, #tpu.memory_space<vmem>>
    %dma_start3A_39 = arith.constant 0 : i32
    %dma_start3A_40 = arith.constant 0 : i32
    %dma_start3A_41 = tpu.memref_slice %arg2[%dma_start3A_39, %dma_start3A_40] : memref<20480x128xf32, #tpu.memory_space<hbm>> -> memref<20480x128xf32, #tpu.memory_space<hbm>>
    tpu.enqueue_indirect_dma source(%dma_start3A_41 : memref<20480x128xf32, #tpu.memory_space<hbm>>) target(%arg9 : memref<128x128xf32, #tpu.memory_space<vmem>>) offsets(%dma_start3A_38 : memref<128xi32, #tpu.memory_space<vmem>>) semaphore(%arg11 : memref<!tpu.dma_semaphore, #tpu.memory_space<semaphore_mem>>)
    %mul3A = arith.constant 640 : i32
    %mul3A_42 = arith.muli %arg1, %mul3A : i32
    "tpu.region"() ({
      %run_scoped3A_55 = tpu.sem_alloc : memref<!tpu.dma_semaphore, #tpu.memory_space<semaphore_mem>>
      %dma_start3A_56 = arith.constant 0 : i32
      %dma_start3A_57 = tpu.memref_slice %arg14[%mul3A_42, %dma_start3A_56] : memref<10240x128xf32, #tpu.memory_space<vmem_shared>> -> memref<640x128xf32, #tpu.memory_space<vmem_shared>>
      tpu.enqueue_dma source(%arg5 : memref<640x128xf32, #tpu.memory_space<hbm>>) target(%dma_start3A_57 : memref<640x128xf32, #tpu.memory_space<vmem_shared>>) target_semaphore(%run_scoped3A_55 : memref<!tpu.dma_semaphore, #tpu.memory_space<semaphore_mem>>)
      %dma_wait3A = arith.constant 0 : i32
      %dma_wait3A_58 = tpu.memref_slice %arg14[%mul3A_42, %dma_wait3A] : memref<10240x128xf32, #tpu.memory_space<vmem_shared>> -> memref<640x128xf32, #tpu.memory_space<vmem_shared>>
      tpu.wait_dma2 semaphore(%run_scoped3A_55 : memref<!tpu.dma_semaphore, #tpu.memory_space<semaphore_mem>>) src(%arg5 : memref<640x128xf32, #tpu.memory_space<hbm>>) dst(%dma_wait3A_58 : memref<640x128xf32, #tpu.memory_space<vmem_shared>>)
      tpu.yield
    }) : () -> ()
    %barrier3A = arith.constant 0 : index
    tpu.barrier barrier_id(%barrier3A)
    %scan3A = arith.constant 0 : i32
    %scan3A_43 = arith.constant 0 : i32
    %scan3A_44 = arith.constant 20 : i32
    %scan3A_45 = arith.addi %scan3A_43, %scan3A_44 : i32
    %scan3A_46 = arith.constant 1 : i32
    scf.for %scan3A_55 = %scan3A_43 to %scan3A_45 step %scan3A_46  : i32 {
      %rem3A = arith.constant 2 : i32
      %rem3A_56 = arith.remsi %scan3A_55, %rem3A : i32
      %dma_wait3A = arith.constant 0 : i32
      %dma_wait3A_57 = arith.constant 0 : i32
      %dma_wait3A_58 = tpu.memref_slice %arg7[%rem3A_56, %dma_wait3A, %dma_wait3A_57] : memref<2x8x128xi32, #tpu.memory_space<vmem>> -> memref<1x1x128xi32, #tpu.memory_space<vmem>>
      %dma_wait3A_59 = tpu.memref_squeeze %dma_wait3A_58 : memref<1x1x128xi32, #tpu.memory_space<vmem>> -> memref<128xi32, #tpu.memory_space<vmem>>
      %dma_wait3A_60 = arith.constant 0 : i32
      %dma_wait3A_61 = arith.constant 0 : i32
      %dma_wait3A_62 = tpu.memref_slice %arg2[%dma_wait3A_60, %dma_wait3A_61] : memref<20480x128xf32, #tpu.memory_space<hbm>> -> memref<20480x128xf32, #tpu.memory_space<hbm>>
      tpu.wait_indirect_dma semaphore(%arg11 : memref<!tpu.dma_semaphore, #tpu.memory_space<semaphore_mem>>) src(%dma_wait3A_62 : memref<20480x128xf32, #tpu.memory_space<hbm>>) dst(%arg9 : memref<128x128xf32, #tpu.memory_space<vmem>>)
      %dma_start3A_63 = arith.constant 1 : i32
      %dma_start3A_64 = arith.constant 0 : i32
      %dma_start3A_65 = tpu.memref_slice %arg7[%rem3A_56, %dma_start3A_63, %dma_start3A_64] : memref<2x8x128xi32, #tpu.memory_space<vmem>> -> memref<1x1x128xi32, #tpu.memory_space<vmem>>
      %dma_start3A_66 = tpu.memref_squeeze %dma_start3A_65 : memref<1x1x128xi32, #tpu.memory_space<vmem>> -> memref<128xi32, #tpu.memory_space<vmem>>
      %dma_start3A_67 = arith.constant 0 : i32
      %dma_start3A_68 = arith.constant 0 : i32
      %dma_start3A_69 = tpu.memref_slice %arg2[%dma_start3A_67, %dma_start3A_68] : memref<20480x128xf32, #tpu.memory_space<hbm>> -> memref<20480x128xf32, #tpu.memory_space<hbm>>
      tpu.enqueue_indirect_dma source(%dma_start3A_69 : memref<20480x128xf32, #tpu.memory_space<hbm>>) target(%arg10 : memref<128x128xf32, #tpu.memory_space<vmem>>) offsets(%dma_start3A_66 : memref<128xi32, #tpu.memory_space<vmem>>) semaphore(%arg12 : memref<!tpu.dma_semaphore, #tpu.memory_space<semaphore_mem>>)
      %run_scoped3A_70 = arith.constant 0 : i32
      "tpu.region"() ({
        %run_scoped3A_173 = tpu.sem_alloc : memref<!tpu.dma_semaphore, #tpu.memory_space<semaphore_mem>>
        %dma_start3A_174 = arith.constant 0 : i32
        %dma_start3A_175 = tpu.memref_slice %arg8[%rem3A_56, %run_scoped3A_70, %dma_start3A_174] : memref<2x8x128xi32, #tpu.memory_space<vmem>> -> memref<1x1x128xi32, #tpu.memory_space<vmem>>
        %dma_start3A_176 = tpu.memref_squeeze %dma_start3A_175 : memref<1x1x128xi32, #tpu.memory_space<vmem>> -> memref<128xi32, #tpu.memory_space<vmem>>
        %dma_start3A_177 = arith.constant 0 : i32
        %dma_start3A_178 = arith.constant 0 : i32
        %dma_start3A_179 = tpu.memref_slice %arg14[%dma_start3A_177, %dma_start3A_178] : memref<10240x128xf32, #tpu.memory_space<vmem_shared>> -> memref<10240x128xf32, #tpu.memory_space<vmem_shared>>
        tpu.enqueue_indirect_dma source(%arg9 : memref<128x128xf32, #tpu.memory_space<vmem>>) target(%dma_start3A_179 : memref<10240x128xf32, #tpu.memory_space<vmem_shared>>) offsets(%dma_start3A_176 : memref<128xi32, #tpu.memory_space<vmem>>) semaphore(%run_scoped3A_173 : memref<!tpu.dma_semaphore, #tpu.memory_space<semaphore_mem>>) {add = true}
        %dma_wait3A_180 = arith.constant 0 : i32
        %dma_wait3A_181 = tpu.memref_slice %arg8[%rem3A_56, %run_scoped3A_70, %dma_wait3A_180] : memref<2x8x128xi32, #tpu.memory_space<vmem>> -> memref<1x1x128xi32, #tpu.memory_space<vmem>>
        %dma_wait3A_182 = tpu.memref_squeeze %dma_wait3A_181 : memref<1x1x128xi32, #tpu.memory_space<vmem>> -> memref<128xi32, #tpu.memory_space<vmem>>
        %dma_wait3A_183 = arith.constant 0 : i32
        %dma_wait3A_184 = arith.constant 0 : i32
        %dma_wait3A_185 = tpu.memref_slice %arg14[%dma_wait3A_183, %dma_wait3A_184] : memref<10240x128xf32, #tpu.memory_space<vmem_shared>> -> memref<10240x128xf32, #tpu.memory_space<vmem_shared>>
        tpu.wait_indirect_dma semaphore(%run_scoped3A_173 : memref<!tpu.dma_semaphore, #tpu.memory_space<semaphore_mem>>) src(%arg9 : memref<128x128xf32, #tpu.memory_space<vmem>>) dst(%dma_wait3A_185 : memref<10240x128xf32, #tpu.memory_space<vmem_shared>>)
        tpu.yield
      }) : () -> ()
      %dma_wait3A_71 = arith.constant 1 : i32
      %dma_wait3A_72 = arith.constant 0 : i32
      %dma_wait3A_73 = tpu.memref_slice %arg7[%rem3A_56, %dma_wait3A_71, %dma_wait3A_72] : memref<2x8x128xi32, #tpu.memory_space<vmem>> -> memref<1x1x128xi32, #tpu.memory_space<vmem>>
      %dma_wait3A_74 = tpu.memref_squeeze %dma_wait3A_73 : memref<1x1x128xi32, #tpu.memory_space<vmem>> -> memref<128xi32, #tpu.memory_space<vmem>>
      %dma_wait3A_75 = arith.constant 0 : i32
      %dma_wait3A_76 = arith.constant 0 : i32
      %dma_wait3A_77 = tpu.memref_slice %arg2[%dma_wait3A_75, %dma_wait3A_76] : memref<20480x128xf32, #tpu.memory_space<hbm>> -> memref<20480x128xf32, #tpu.memory_space<hbm>>
      tpu.wait_indirect_dma semaphore(%arg12 : memref<!tpu.dma_semaphore, #tpu.memory_space<semaphore_mem>>) src(%dma_wait3A_77 : memref<20480x128xf32, #tpu.memory_space<hbm>>) dst(%arg10 : memref<128x128xf32, #tpu.memory_space<vmem>>)
      %dma_start3A_78 = arith.constant 2 : i32
      %dma_start3A_79 = arith.constant 0 : i32
      %dma_start3A_80 = tpu.memref_slice %arg7[%rem3A_56, %dma_start3A_78, %dma_start3A_79] : memref<2x8x128xi32, #tpu.memory_space<vmem>> -> memref<1x1x128xi32, #tpu.memory_space<vmem>>
      %dma_start3A_81 = tpu.memref_squeeze %dma_start3A_80 : memref<1x1x128xi32, #tpu.memory_space<vmem>> -> memref<128xi32, #tpu.memory_space<vmem>>
      %dma_start3A_82 = arith.constant 0 : i32
      %dma_start3A_83 = arith.constant 0 : i32
      %dma_start3A_84 = tpu.memref_slice %arg2[%dma_start3A_82, %dma_start3A_83] : memref<20480x128xf32, #tpu.memory_space<hbm>> -> memref<20480x128xf32, #tpu.memory_space<hbm>>
      tpu.enqueue_indirect_dma source(%dma_start3A_84 : memref<20480x128xf32, #tpu.memory_space<hbm>>) target(%arg9 : memref<128x128xf32, #tpu.memory_space<vmem>>) offsets(%dma_start3A_81 : memref<128xi32, #tpu.memory_space<vmem>>) semaphore(%arg11 : memref<!tpu.dma_semaphore, #tpu.memory_space<semaphore_mem>>)
      %run_scoped3A_85 = arith.constant 1 : i32
      "tpu.region"() ({
        %run_scoped3A_173 = tpu.sem_alloc : memref<!tpu.dma_semaphore, #tpu.memory_space<semaphore_mem>>
        %dma_start3A_174 = arith.constant 0 : i32
        %dma_start3A_175 = tpu.memref_slice %arg8[%rem3A_56, %run_scoped3A_85, %dma_start3A_174] : memref<2x8x128xi32, #tpu.memory_space<vmem>> -> memref<1x1x128xi32, #tpu.memory_space<vmem>>
        %dma_start3A_176 = tpu.memref_squeeze %dma_start3A_175 : memref<1x1x128xi32, #tpu.memory_space<vmem>> -> memref<128xi32, #tpu.memory_space<vmem>>
        %dma_start3A_177 = arith.constant 0 : i32
        %dma_start3A_178 = arith.constant 0 : i32
        %dma_start3A_179 = tpu.memref_slice %arg14[%dma_start3A_177, %dma_start3A_178] : memref<10240x128xf32, #tpu.memory_space<vmem_shared>> -> memref<10240x128xf32, #tpu.memory_space<vmem_shared>>
        tpu.enqueue_indirect_dma source(%arg10 : memref<128x128xf32, #tpu.memory_space<vmem>>) target(%dma_start3A_179 : memref<10240x128xf32, #tpu.memory_space<vmem_shared>>) offsets(%dma_start3A_176 : memref<128xi32, #tpu.memory_space<vmem>>) semaphore(%run_scoped3A_173 : memref<!tpu.dma_semaphore, #tpu.memory_space<semaphore_mem>>) {add = true}
        %dma_wait3A_180 = arith.constant 0 : i32
        %dma_wait3A_181 = tpu.memref_slice %arg8[%rem3A_56, %run_scoped3A_85, %dma_wait3A_180] : memref<2x8x128xi32, #tpu.memory_space<vmem>> -> memref<1x1x128xi32, #tpu.memory_space<vmem>>
        %dma_wait3A_182 = tpu.memref_squeeze %dma_wait3A_181 : memref<1x1x128xi32, #tpu.memory_space<vmem>> -> memref<128xi32, #tpu.memory_space<vmem>>
        %dma_wait3A_183 = arith.constant 0 : i32
        %dma_wait3A_184 = arith.constant 0 : i32
        %dma_wait3A_185 = tpu.memref_slice %arg14[%dma_wait3A_183, %dma_wait3A_184] : memref<10240x128xf32, #tpu.memory_space<vmem_shared>> -> memref<10240x128xf32, #tpu.memory_space<vmem_shared>>
        tpu.wait_indirect_dma semaphore(%run_scoped3A_173 : memref<!tpu.dma_semaphore, #tpu.memory_space<semaphore_mem>>) src(%arg10 : memref<128x128xf32, #tpu.memory_space<vmem>>) dst(%dma_wait3A_185 : memref<10240x128xf32, #tpu.memory_space<vmem_shared>>)
        tpu.yield
      }) : () -> ()
      %dma_wait3A_86 = arith.constant 2 : i32
      %dma_wait3A_87 = arith.constant 0 : i32
      %dma_wait3A_88 = tpu.memref_slice %arg7[%rem3A_56, %dma_wait3A_86, %dma_wait3A_87] : memref<2x8x128xi32, #tpu.memory_space<vmem>> -> memref<1x1x128xi32, #tpu.memory_space<vmem>>
      %dma_wait3A_89 = tpu.memref_squeeze %dma_wait3A_88 : memref<1x1x128xi32, #tpu.memory_space<vmem>> -> memref<128xi32, #tpu.memory_space<vmem>>
      %dma_wait3A_90 = arith.constant 0 : i32
      %dma_wait3A_91 = arith.constant 0 : i32
      %dma_wait3A_92 = tpu.memref_slice %arg2[%dma_wait3A_90, %dma_wait3A_91] : memref<20480x128xf32, #tpu.memory_space<hbm>> -> memref<20480x128xf32, #tpu.memory_space<hbm>>
      tpu.wait_indirect_dma semaphore(%arg11 : memref<!tpu.dma_semaphore, #tpu.memory_space<semaphore_mem>>) src(%dma_wait3A_92 : memref<20480x128xf32, #tpu.memory_space<hbm>>) dst(%arg9 : memref<128x128xf32, #tpu.memory_space<vmem>>)
      %dma_start3A_93 = arith.constant 3 : i32
      %dma_start3A_94 = arith.constant 0 : i32
      %dma_start3A_95 = tpu.memref_slice %arg7[%rem3A_56, %dma_start3A_93, %dma_start3A_94] : memref<2x8x128xi32, #tpu.memory_space<vmem>> -> memref<1x1x128xi32, #tpu.memory_space<vmem>>
      %dma_start3A_96 = tpu.memref_squeeze %dma_start3A_95 : memref<1x1x128xi32, #tpu.memory_space<vmem>> -> memref<128xi32, #tpu.memory_space<vmem>>
      %dma_start3A_97 = arith.constant 0 : i32
      %dma_start3A_98 = arith.constant 0 : i32
      %dma_start3A_99 = tpu.memref_slice %arg2[%dma_start3A_97, %dma_start3A_98] : memref<20480x128xf32, #tpu.memory_space<hbm>> -> memref<20480x128xf32, #tpu.memory_space<hbm>>
      tpu.enqueue_indirect_dma source(%dma_start3A_99 : memref<20480x128xf32, #tpu.memory_space<hbm>>) target(%arg10 : memref<128x128xf32, #tpu.memory_space<vmem>>) offsets(%dma_start3A_96 : memref<128xi32, #tpu.memory_space<vmem>>) semaphore(%arg12 : memref<!tpu.dma_semaphore, #tpu.memory_space<semaphore_mem>>)
      %run_scoped3A_100 = arith.constant 2 : i32
      "tpu.region"() ({
        %run_scoped3A_173 = tpu.sem_alloc : memref<!tpu.dma_semaphore, #tpu.memory_space<semaphore_mem>>
        %dma_start3A_174 = arith.constant 0 : i32
        %dma_start3A_175 = tpu.memref_slice %arg8[%rem3A_56, %run_scoped3A_100, %dma_start3A_174] : memref<2x8x128xi32, #tpu.memory_space<vmem>> -> memref<1x1x128xi32, #tpu.memory_space<vmem>>
        %dma_start3A_176 = tpu.memref_squeeze %dma_start3A_175 : memref<1x1x128xi32, #tpu.memory_space<vmem>> -> memref<128xi32, #tpu.memory_space<vmem>>
        %dma_start3A_177 = arith.constant 0 : i32
        %dma_start3A_178 = arith.constant 0 : i32
        %dma_start3A_179 = tpu.memref_slice %arg14[%dma_start3A_177, %dma_start3A_178] : memref<10240x128xf32, #tpu.memory_space<vmem_shared>> -> memref<10240x128xf32, #tpu.memory_space<vmem_shared>>
        tpu.enqueue_indirect_dma source(%arg9 : memref<128x128xf32, #tpu.memory_space<vmem>>) target(%dma_start3A_179 : memref<10240x128xf32, #tpu.memory_space<vmem_shared>>) offsets(%dma_start3A_176 : memref<128xi32, #tpu.memory_space<vmem>>) semaphore(%run_scoped3A_173 : memref<!tpu.dma_semaphore, #tpu.memory_space<semaphore_mem>>) {add = true}
        %dma_wait3A_180 = arith.constant 0 : i32
        %dma_wait3A_181 = tpu.memref_slice %arg8[%rem3A_56, %run_scoped3A_100, %dma_wait3A_180] : memref<2x8x128xi32, #tpu.memory_space<vmem>> -> memref<1x1x128xi32, #tpu.memory_space<vmem>>
        %dma_wait3A_182 = tpu.memref_squeeze %dma_wait3A_181 : memref<1x1x128xi32, #tpu.memory_space<vmem>> -> memref<128xi32, #tpu.memory_space<vmem>>
        %dma_wait3A_183 = arith.constant 0 : i32
        %dma_wait3A_184 = arith.constant 0 : i32
        %dma_wait3A_185 = tpu.memref_slice %arg14[%dma_wait3A_183, %dma_wait3A_184] : memref<10240x128xf32, #tpu.memory_space<vmem_shared>> -> memref<10240x128xf32, #tpu.memory_space<vmem_shared>>
        tpu.wait_indirect_dma semaphore(%run_scoped3A_173 : memref<!tpu.dma_semaphore, #tpu.memory_space<semaphore_mem>>) src(%arg9 : memref<128x128xf32, #tpu.memory_space<vmem>>) dst(%dma_wait3A_185 : memref<10240x128xf32, #tpu.memory_space<vmem_shared>>)
        tpu.yield
      }) : () -> ()
      %dma_wait3A_101 = arith.constant 3 : i32
      %dma_wait3A_102 = arith.constant 0 : i32
      %dma_wait3A_103 = tpu.memref_slice %arg7[%rem3A_56, %dma_wait3A_101, %dma_wait3A_102] : memref<2x8x128xi32, #tpu.memory_space<vmem>> -> memref<1x1x128xi32, #tpu.memory_space<vmem>>
      %dma_wait3A_104 = tpu.memref_squeeze %dma_wait3A_103 : memref<1x1x128xi32, #tpu.memory_space<vmem>> -> memref<128xi32, #tpu.memory_space<vmem>>
      %dma_wait3A_105 = arith.constant 0 : i32
      %dma_wait3A_106 = arith.constant 0 : i32
      %dma_wait3A_107 = tpu.memref_slice %arg2[%dma_wait3A_105, %dma_wait3A_106] : memref<20480x128xf32, #tpu.memory_space<hbm>> -> memref<20480x128xf32, #tpu.memory_space<hbm>>
      tpu.wait_indirect_dma semaphore(%arg12 : memref<!tpu.dma_semaphore, #tpu.memory_space<semaphore_mem>>) src(%dma_wait3A_107 : memref<20480x128xf32, #tpu.memory_space<hbm>>) dst(%arg10 : memref<128x128xf32, #tpu.memory_space<vmem>>)
      %dma_start3A_108 = arith.constant 4 : i32
      %dma_start3A_109 = arith.constant 0 : i32
      %dma_start3A_110 = tpu.memref_slice %arg7[%rem3A_56, %dma_start3A_108, %dma_start3A_109] : memref<2x8x128xi32, #tpu.memory_space<vmem>> -> memref<1x1x128xi32, #tpu.memory_space<vmem>>
      %dma_start3A_111 = tpu.memref_squeeze %dma_start3A_110 : memref<1x1x128xi32, #tpu.memory_space<vmem>> -> memref<128xi32, #tpu.memory_space<vmem>>
      %dma_start3A_112 = arith.constant 0 : i32
      %dma_start3A_113 = arith.constant 0 : i32
      %dma_start3A_114 = tpu.memref_slice %arg2[%dma_start3A_112, %dma_start3A_113] : memref<20480x128xf32, #tpu.memory_space<hbm>> -> memref<20480x128xf32, #tpu.memory_space<hbm>>
      tpu.enqueue_indirect_dma source(%dma_start3A_114 : memref<20480x128xf32, #tpu.memory_space<hbm>>) target(%arg9 : memref<128x128xf32, #tpu.memory_space<vmem>>) offsets(%dma_start3A_111 : memref<128xi32, #tpu.memory_space<vmem>>) semaphore(%arg11 : memref<!tpu.dma_semaphore, #tpu.memory_space<semaphore_mem>>)
      %run_scoped3A_115 = arith.constant 3 : i32
      "tpu.region"() ({
        %run_scoped3A_173 = tpu.sem_alloc : memref<!tpu.dma_semaphore, #tpu.memory_space<semaphore_mem>>
        %dma_start3A_174 = arith.constant 0 : i32
        %dma_start3A_175 = tpu.memref_slice %arg8[%rem3A_56, %run_scoped3A_115, %dma_start3A_174] : memref<2x8x128xi32, #tpu.memory_space<vmem>> -> memref<1x1x128xi32, #tpu.memory_space<vmem>>
        %dma_start3A_176 = tpu.memref_squeeze %dma_start3A_175 : memref<1x1x128xi32, #tpu.memory_space<vmem>> -> memref<128xi32, #tpu.memory_space<vmem>>
        %dma_start3A_177 = arith.constant 0 : i32
        %dma_start3A_178 = arith.constant 0 : i32
        %dma_start3A_179 = tpu.memref_slice %arg14[%dma_start3A_177, %dma_start3A_178] : memref<10240x128xf32, #tpu.memory_space<vmem_shared>> -> memref<10240x128xf32, #tpu.memory_space<vmem_shared>>
        tpu.enqueue_indirect_dma source(%arg10 : memref<128x128xf32, #tpu.memory_space<vmem>>) target(%dma_start3A_179 : memref<10240x128xf32, #tpu.memory_space<vmem_shared>>) offsets(%dma_start3A_176 : memref<128xi32, #tpu.memory_space<vmem>>) semaphore(%run_scoped3A_173 : memref<!tpu.dma_semaphore, #tpu.memory_space<semaphore_mem>>) {add = true}
        %dma_wait3A_180 = arith.constant 0 : i32
        %dma_wait3A_181 = tpu.memref_slice %arg8[%rem3A_56, %run_scoped3A_115, %dma_wait3A_180] : memref<2x8x128xi32, #tpu.memory_space<vmem>> -> memref<1x1x128xi32, #tpu.memory_space<vmem>>
        %dma_wait3A_182 = tpu.memref_squeeze %dma_wait3A_181 : memref<1x1x128xi32, #tpu.memory_space<vmem>> -> memref<128xi32, #tpu.memory_space<vmem>>
        %dma_wait3A_183 = arith.constant 0 : i32
        %dma_wait3A_184 = arith.constant 0 : i32
        %dma_wait3A_185 = tpu.memref_slice %arg14[%dma_wait3A_183, %dma_wait3A_184] : memref<10240x128xf32, #tpu.memory_space<vmem_shared>> -> memref<10240x128xf32, #tpu.memory_space<vmem_shared>>
        tpu.wait_indirect_dma semaphore(%run_scoped3A_173 : memref<!tpu.dma_semaphore, #tpu.memory_space<semaphore_mem>>) src(%arg10 : memref<128x128xf32, #tpu.memory_space<vmem>>) dst(%dma_wait3A_185 : memref<10240x128xf32, #tpu.memory_space<vmem_shared>>)
        tpu.yield
      }) : () -> ()
      %dma_wait3A_116 = arith.constant 4 : i32
      %dma_wait3A_117 = arith.constant 0 : i32
      %dma_wait3A_118 = tpu.memref_slice %arg7[%rem3A_56, %dma_wait3A_116, %dma_wait3A_117] : memref<2x8x128xi32, #tpu.memory_space<vmem>> -> memref<1x1x128xi32, #tpu.memory_space<vmem>>
      %dma_wait3A_119 = tpu.memref_squeeze %dma_wait3A_118 : memref<1x1x128xi32, #tpu.memory_space<vmem>> -> memref<128xi32, #tpu.memory_space<vmem>>
      %dma_wait3A_120 = arith.constant 0 : i32
      %dma_wait3A_121 = arith.constant 0 : i32
      %dma_wait3A_122 = tpu.memref_slice %arg2[%dma_wait3A_120, %dma_wait3A_121] : memref<20480x128xf32, #tpu.memory_space<hbm>> -> memref<20480x128xf32, #tpu.memory_space<hbm>>
      tpu.wait_indirect_dma semaphore(%arg11 : memref<!tpu.dma_semaphore, #tpu.memory_space<semaphore_mem>>) src(%dma_wait3A_122 : memref<20480x128xf32, #tpu.memory_space<hbm>>) dst(%arg9 : memref<128x128xf32, #tpu.memory_space<vmem>>)
      %dma_start3A_123 = arith.constant 5 : i32
      %dma_start3A_124 = arith.constant 0 : i32
      %dma_start3A_125 = tpu.memref_slice %arg7[%rem3A_56, %dma_start3A_123, %dma_start3A_124] : memref<2x8x128xi32, #tpu.memory_space<vmem>> -> memref<1x1x128xi32, #tpu.memory_space<vmem>>
      %dma_start3A_126 = tpu.memref_squeeze %dma_start3A_125 : memref<1x1x128xi32, #tpu.memory_space<vmem>> -> memref<128xi32, #tpu.memory_space<vmem>>
      %dma_start3A_127 = arith.constant 0 : i32
      %dma_start3A_128 = arith.constant 0 : i32
      %dma_start3A_129 = tpu.memref_slice %arg2[%dma_start3A_127, %dma_start3A_128] : memref<20480x128xf32, #tpu.memory_space<hbm>> -> memref<20480x128xf32, #tpu.memory_space<hbm>>
      tpu.enqueue_indirect_dma source(%dma_start3A_129 : memref<20480x128xf32, #tpu.memory_space<hbm>>) target(%arg10 : memref<128x128xf32, #tpu.memory_space<vmem>>) offsets(%dma_start3A_126 : memref<128xi32, #tpu.memory_space<vmem>>) semaphore(%arg12 : memref<!tpu.dma_semaphore, #tpu.memory_space<semaphore_mem>>)
      %run_scoped3A_130 = arith.constant 4 : i32
      "tpu.region"() ({
        %run_scoped3A_173 = tpu.sem_alloc : memref<!tpu.dma_semaphore, #tpu.memory_space<semaphore_mem>>
        %dma_start3A_174 = arith.constant 0 : i32
        %dma_start3A_175 = tpu.memref_slice %arg8[%rem3A_56, %run_scoped3A_130, %dma_start3A_174] : memref<2x8x128xi32, #tpu.memory_space<vmem>> -> memref<1x1x128xi32, #tpu.memory_space<vmem>>
        %dma_start3A_176 = tpu.memref_squeeze %dma_start3A_175 : memref<1x1x128xi32, #tpu.memory_space<vmem>> -> memref<128xi32, #tpu.memory_space<vmem>>
        %dma_start3A_177 = arith.constant 0 : i32
        %dma_start3A_178 = arith.constant 0 : i32
        %dma_start3A_179 = tpu.memref_slice %arg14[%dma_start3A_177, %dma_start3A_178] : memref<10240x128xf32, #tpu.memory_space<vmem_shared>> -> memref<10240x128xf32, #tpu.memory_space<vmem_shared>>
        tpu.enqueue_indirect_dma source(%arg9 : memref<128x128xf32, #tpu.memory_space<vmem>>) target(%dma_start3A_179 : memref<10240x128xf32, #tpu.memory_space<vmem_shared>>) offsets(%dma_start3A_176 : memref<128xi32, #tpu.memory_space<vmem>>) semaphore(%run_scoped3A_173 : memref<!tpu.dma_semaphore, #tpu.memory_space<semaphore_mem>>) {add = true}
        %dma_wait3A_180 = arith.constant 0 : i32
        %dma_wait3A_181 = tpu.memref_slice %arg8[%rem3A_56, %run_scoped3A_130, %dma_wait3A_180] : memref<2x8x128xi32, #tpu.memory_space<vmem>> -> memref<1x1x128xi32, #tpu.memory_space<vmem>>
        %dma_wait3A_182 = tpu.memref_squeeze %dma_wait3A_181 : memref<1x1x128xi32, #tpu.memory_space<vmem>> -> memref<128xi32, #tpu.memory_space<vmem>>
        %dma_wait3A_183 = arith.constant 0 : i32
        %dma_wait3A_184 = arith.constant 0 : i32
        %dma_wait3A_185 = tpu.memref_slice %arg14[%dma_wait3A_183, %dma_wait3A_184] : memref<10240x128xf32, #tpu.memory_space<vmem_shared>> -> memref<10240x128xf32, #tpu.memory_space<vmem_shared>>
        tpu.wait_indirect_dma semaphore(%run_scoped3A_173 : memref<!tpu.dma_semaphore, #tpu.memory_space<semaphore_mem>>) src(%arg9 : memref<128x128xf32, #tpu.memory_space<vmem>>) dst(%dma_wait3A_185 : memref<10240x128xf32, #tpu.memory_space<vmem_shared>>)
        tpu.yield
      }) : () -> ()
      %dma_wait3A_131 = arith.constant 5 : i32
      %dma_wait3A_132 = arith.constant 0 : i32
      %dma_wait3A_133 = tpu.memref_slice %arg7[%rem3A_56, %dma_wait3A_131, %dma_wait3A_132] : memref<2x8x128xi32, #tpu.memory_space<vmem>> -> memref<1x1x128xi32, #tpu.memory_space<vmem>>
      %dma_wait3A_134 = tpu.memref_squeeze %dma_wait3A_133 : memref<1x1x128xi32, #tpu.memory_space<vmem>> -> memref<128xi32, #tpu.memory_space<vmem>>
      %dma_wait3A_135 = arith.constant 0 : i32
      %dma_wait3A_136 = arith.constant 0 : i32
      %dma_wait3A_137 = tpu.memref_slice %arg2[%dma_wait3A_135, %dma_wait3A_136] : memref<20480x128xf32, #tpu.memory_space<hbm>> -> memref<20480x128xf32, #tpu.memory_space<hbm>>
      tpu.wait_indirect_dma semaphore(%arg12 : memref<!tpu.dma_semaphore, #tpu.memory_space<semaphore_mem>>) src(%dma_wait3A_137 : memref<20480x128xf32, #tpu.memory_space<hbm>>) dst(%arg10 : memref<128x128xf32, #tpu.memory_space<vmem>>)
      %dma_start3A_138 = arith.constant 6 : i32
      %dma_start3A_139 = arith.constant 0 : i32
      %dma_start3A_140 = tpu.memref_slice %arg7[%rem3A_56, %dma_start3A_138, %dma_start3A_139] : memref<2x8x128xi32, #tpu.memory_space<vmem>> -> memref<1x1x128xi32, #tpu.memory_space<vmem>>
      %dma_start3A_141 = tpu.memref_squeeze %dma_start3A_140 : memref<1x1x128xi32, #tpu.memory_space<vmem>> -> memref<128xi32, #tpu.memory_space<vmem>>
      %dma_start3A_142 = arith.constant 0 : i32
      %dma_start3A_143 = arith.constant 0 : i32
      %dma_start3A_144 = tpu.memref_slice %arg2[%dma_start3A_142, %dma_start3A_143] : memref<20480x128xf32, #tpu.memory_space<hbm>> -> memref<20480x128xf32, #tpu.memory_space<hbm>>
      tpu.enqueue_indirect_dma source(%dma_start3A_144 : memref<20480x128xf32, #tpu.memory_space<hbm>>) target(%arg9 : memref<128x128xf32, #tpu.memory_space<vmem>>) offsets(%dma_start3A_141 : memref<128xi32, #tpu.memory_space<vmem>>) semaphore(%arg11 : memref<!tpu.dma_semaphore, #tpu.memory_space<semaphore_mem>>)
      %run_scoped3A_145 = arith.constant 5 : i32
      "tpu.region"() ({
        %run_scoped3A_173 = tpu.sem_alloc : memref<!tpu.dma_semaphore, #tpu.memory_space<semaphore_mem>>
        %dma_start3A_174 = arith.constant 0 : i32
        %dma_start3A_175 = tpu.memref_slice %arg8[%rem3A_56, %run_scoped3A_145, %dma_start3A_174] : memref<2x8x128xi32, #tpu.memory_space<vmem>> -> memref<1x1x128xi32, #tpu.memory_space<vmem>>
        %dma_start3A_176 = tpu.memref_squeeze %dma_start3A_175 : memref<1x1x128xi32, #tpu.memory_space<vmem>> -> memref<128xi32, #tpu.memory_space<vmem>>
        %dma_start3A_177 = arith.constant 0 : i32
        %dma_start3A_178 = arith.constant 0 : i32
        %dma_start3A_179 = tpu.memref_slice %arg14[%dma_start3A_177, %dma_start3A_178] : memref<10240x128xf32, #tpu.memory_space<vmem_shared>> -> memref<10240x128xf32, #tpu.memory_space<vmem_shared>>
        tpu.enqueue_indirect_dma source(%arg10 : memref<128x128xf32, #tpu.memory_space<vmem>>) target(%dma_start3A_179 : memref<10240x128xf32, #tpu.memory_space<vmem_shared>>) offsets(%dma_start3A_176 : memref<128xi32, #tpu.memory_space<vmem>>) semaphore(%run_scoped3A_173 : memref<!tpu.dma_semaphore, #tpu.memory_space<semaphore_mem>>) {add = true}
        %dma_wait3A_180 = arith.constant 0 : i32
        %dma_wait3A_181 = tpu.memref_slice %arg8[%rem3A_56, %run_scoped3A_145, %dma_wait3A_180] : memref<2x8x128xi32, #tpu.memory_space<vmem>> -> memref<1x1x128xi32, #tpu.memory_space<vmem>>
        %dma_wait3A_182 = tpu.memref_squeeze %dma_wait3A_181 : memref<1x1x128xi32, #tpu.memory_space<vmem>> -> memref<128xi32, #tpu.memory_space<vmem>>
        %dma_wait3A_183 = arith.constant 0 : i32
        %dma_wait3A_184 = arith.constant 0 : i32
        %dma_wait3A_185 = tpu.memref_slice %arg14[%dma_wait3A_183, %dma_wait3A_184] : memref<10240x128xf32, #tpu.memory_space<vmem_shared>> -> memref<10240x128xf32, #tpu.memory_space<vmem_shared>>
        tpu.wait_indirect_dma semaphore(%run_scoped3A_173 : memref<!tpu.dma_semaphore, #tpu.memory_space<semaphore_mem>>) src(%arg10 : memref<128x128xf32, #tpu.memory_space<vmem>>) dst(%dma_wait3A_185 : memref<10240x128xf32, #tpu.memory_space<vmem_shared>>)
        tpu.yield
      }) : () -> ()
      %dma_wait3A_146 = arith.constant 6 : i32
      %dma_wait3A_147 = arith.constant 0 : i32
      %dma_wait3A_148 = tpu.memref_slice %arg7[%rem3A_56, %dma_wait3A_146, %dma_wait3A_147] : memref<2x8x128xi32, #tpu.memory_space<vmem>> -> memref<1x1x128xi32, #tpu.memory_space<vmem>>
      %dma_wait3A_149 = tpu.memref_squeeze %dma_wait3A_148 : memref<1x1x128xi32, #tpu.memory_space<vmem>> -> memref<128xi32, #tpu.memory_space<vmem>>
      %dma_wait3A_150 = arith.constant 0 : i32
      %dma_wait3A_151 = arith.constant 0 : i32
      %dma_wait3A_152 = tpu.memref_slice %arg2[%dma_wait3A_150, %dma_wait3A_151] : memref<20480x128xf32, #tpu.memory_space<hbm>> -> memref<20480x128xf32, #tpu.memory_space<hbm>>
      tpu.wait_indirect_dma semaphore(%arg11 : memref<!tpu.dma_semaphore, #tpu.memory_space<semaphore_mem>>) src(%dma_wait3A_152 : memref<20480x128xf32, #tpu.memory_space<hbm>>) dst(%arg9 : memref<128x128xf32, #tpu.memory_space<vmem>>)
      %dma_start3A_153 = arith.constant 7 : i32
      %dma_start3A_154 = arith.constant 0 : i32
      %dma_start3A_155 = tpu.memref_slice %arg7[%rem3A_56, %dma_start3A_153, %dma_start3A_154] : memref<2x8x128xi32, #tpu.memory_space<vmem>> -> memref<1x1x128xi32, #tpu.memory_space<vmem>>
      %dma_start3A_156 = tpu.memref_squeeze %dma_start3A_155 : memref<1x1x128xi32, #tpu.memory_space<vmem>> -> memref<128xi32, #tpu.memory_space<vmem>>
      %dma_start3A_157 = arith.constant 0 : i32
      %dma_start3A_158 = arith.constant 0 : i32
      %dma_start3A_159 = tpu.memref_slice %arg2[%dma_start3A_157, %dma_start3A_158] : memref<20480x128xf32, #tpu.memory_space<hbm>> -> memref<20480x128xf32, #tpu.memory_space<hbm>>
      tpu.enqueue_indirect_dma source(%dma_start3A_159 : memref<20480x128xf32, #tpu.memory_space<hbm>>) target(%arg10 : memref<128x128xf32, #tpu.memory_space<vmem>>) offsets(%dma_start3A_156 : memref<128xi32, #tpu.memory_space<vmem>>) semaphore(%arg12 : memref<!tpu.dma_semaphore, #tpu.memory_space<semaphore_mem>>)
      %run_scoped3A_160 = arith.constant 6 : i32
      "tpu.region"() ({
        %run_scoped3A_173 = tpu.sem_alloc : memref<!tpu.dma_semaphore, #tpu.memory_space<semaphore_mem>>
        %dma_start3A_174 = arith.constant 0 : i32
        %dma_start3A_175 = tpu.memref_slice %arg8[%rem3A_56, %run_scoped3A_160, %dma_start3A_174] : memref<2x8x128xi32, #tpu.memory_space<vmem>> -> memref<1x1x128xi32, #tpu.memory_space<vmem>>
        %dma_start3A_176 = tpu.memref_squeeze %dma_start3A_175 : memref<1x1x128xi32, #tpu.memory_space<vmem>> -> memref<128xi32, #tpu.memory_space<vmem>>
        %dma_start3A_177 = arith.constant 0 : i32
        %dma_start3A_178 = arith.constant 0 : i32
        %dma_start3A_179 = tpu.memref_slice %arg14[%dma_start3A_177, %dma_start3A_178] : memref<10240x128xf32, #tpu.memory_space<vmem_shared>> -> memref<10240x128xf32, #tpu.memory_space<vmem_shared>>
        tpu.enqueue_indirect_dma source(%arg9 : memref<128x128xf32, #tpu.memory_space<vmem>>) target(%dma_start3A_179 : memref<10240x128xf32, #tpu.memory_space<vmem_shared>>) offsets(%dma_start3A_176 : memref<128xi32, #tpu.memory_space<vmem>>) semaphore(%run_scoped3A_173 : memref<!tpu.dma_semaphore, #tpu.memory_space<semaphore_mem>>) {add = true}
        %dma_wait3A_180 = arith.constant 0 : i32
        %dma_wait3A_181 = tpu.memref_slice %arg8[%rem3A_56, %run_scoped3A_160, %dma_wait3A_180] : memref<2x8x128xi32, #tpu.memory_space<vmem>> -> memref<1x1x128xi32, #tpu.memory_space<vmem>>
        %dma_wait3A_182 = tpu.memref_squeeze %dma_wait3A_181 : memref<1x1x128xi32, #tpu.memory_space<vmem>> -> memref<128xi32, #tpu.memory_space<vmem>>
        %dma_wait3A_183 = arith.constant 0 : i32
        %dma_wait3A_184 = arith.constant 0 : i32
        %dma_wait3A_185 = tpu.memref_slice %arg14[%dma_wait3A_183, %dma_wait3A_184] : memref<10240x128xf32, #tpu.memory_space<vmem_shared>> -> memref<10240x128xf32, #tpu.memory_space<vmem_shared>>
        tpu.wait_indirect_dma semaphore(%run_scoped3A_173 : memref<!tpu.dma_semaphore, #tpu.memory_space<semaphore_mem>>) src(%arg9 : memref<128x128xf32, #tpu.memory_space<vmem>>) dst(%dma_wait3A_185 : memref<10240x128xf32, #tpu.memory_space<vmem_shared>>)
        tpu.yield
      }) : () -> ()
      %dma_wait3A_161 = arith.constant 7 : i32
      %dma_wait3A_162 = arith.constant 0 : i32
      %dma_wait3A_163 = tpu.memref_slice %arg7[%rem3A_56, %dma_wait3A_161, %dma_wait3A_162] : memref<2x8x128xi32, #tpu.memory_space<vmem>> -> memref<1x1x128xi32, #tpu.memory_space<vmem>>
      %dma_wait3A_164 = tpu.memref_squeeze %dma_wait3A_163 : memref<1x1x128xi32, #tpu.memory_space<vmem>> -> memref<128xi32, #tpu.memory_space<vmem>>
      %dma_wait3A_165 = arith.constant 0 : i32
      %dma_wait3A_166 = arith.constant 0 : i32
      %dma_wait3A_167 = tpu.memref_slice %arg2[%dma_wait3A_165, %dma_wait3A_166] : memref<20480x128xf32, #tpu.memory_space<hbm>> -> memref<20480x128xf32, #tpu.memory_space<hbm>>
      tpu.wait_indirect_dma semaphore(%arg12 : memref<!tpu.dma_semaphore, #tpu.memory_space<semaphore_mem>>) src(%dma_wait3A_167 : memref<20480x128xf32, #tpu.memory_space<hbm>>) dst(%arg10 : memref<128x128xf32, #tpu.memory_space<vmem>>)
      %run_scoped3A_168 = arith.constant 7 : i32
      "tpu.region"() ({
        %run_scoped3A_173 = tpu.sem_alloc : memref<!tpu.dma_semaphore, #tpu.memory_space<semaphore_mem>>
        %dma_start3A_174 = arith.constant 0 : i32
        %dma_start3A_175 = tpu.memref_slice %arg8[%rem3A_56, %run_scoped3A_168, %dma_start3A_174] : memref<2x8x128xi32, #tpu.memory_space<vmem>> -> memref<1x1x128xi32, #tpu.memory_space<vmem>>
        %dma_start3A_176 = tpu.memref_squeeze %dma_start3A_175 : memref<1x1x128xi32, #tpu.memory_space<vmem>> -> memref<128xi32, #tpu.memory_space<vmem>>
        %dma_start3A_177 = arith.constant 0 : i32
        %dma_start3A_178 = arith.constant 0 : i32
        %dma_start3A_179 = tpu.memref_slice %arg14[%dma_start3A_177, %dma_start3A_178] : memref<10240x128xf32, #tpu.memory_space<vmem_shared>> -> memref<10240x128xf32, #tpu.memory_space<vmem_shared>>
        tpu.enqueue_indirect_dma source(%arg10 : memref<128x128xf32, #tpu.memory_space<vmem>>) target(%dma_start3A_179 : memref<10240x128xf32, #tpu.memory_space<vmem_shared>>) offsets(%dma_start3A_176 : memref<128xi32, #tpu.memory_space<vmem>>) semaphore(%run_scoped3A_173 : memref<!tpu.dma_semaphore, #tpu.memory_space<semaphore_mem>>) {add = true}
        %dma_wait3A_180 = arith.constant 0 : i32
        %dma_wait3A_181 = tpu.memref_slice %arg8[%rem3A_56, %run_scoped3A_168, %dma_wait3A_180] : memref<2x8x128xi32, #tpu.memory_space<vmem>> -> memref<1x1x128xi32, #tpu.memory_space<vmem>>
        %dma_wait3A_182 = tpu.memref_squeeze %dma_wait3A_181 : memref<1x1x128xi32, #tpu.memory_space<vmem>> -> memref<128xi32, #tpu.memory_space<vmem>>
        %dma_wait3A_183 = arith.constant 0 : i32
        %dma_wait3A_184 = arith.constant 0 : i32
        %dma_wait3A_185 = tpu.memref_slice %arg14[%dma_wait3A_183, %dma_wait3A_184] : memref<10240x128xf32, #tpu.memory_space<vmem_shared>> -> memref<10240x128xf32, #tpu.memory_space<vmem_shared>>
        tpu.wait_indirect_dma semaphore(%run_scoped3A_173 : memref<!tpu.dma_semaphore, #tpu.memory_space<semaphore_mem>>) src(%arg10 : memref<128x128xf32, #tpu.memory_space<vmem>>) dst(%dma_wait3A_185 : memref<10240x128xf32, #tpu.memory_space<vmem_shared>>)
        tpu.yield
      }) : () -> ()
      %add3A_169 = arith.constant 1 : i32
      %add3A_170 = arith.addi %scan3A_55, %add3A_169 : i32
      %lt3A = arith.constant 20 : i32
      %lt3A_171 = arith.cmpi slt, %add3A_170, %lt3A : i32
      %convert_element_type3A = arith.extui %lt3A_171 : i1 to i32
      %cond3A = arith.constant 0 : i32
      %cond3A_172 = arith.cmpi ne, %convert_element_type3A, %cond3A : i32
      scf.if %cond3A_172 {
        %add3A_173 = arith.constant 1 : i32
        %add3A_174 = arith.addi %scan3A_55, %add3A_173 : i32
        %mul3A_175 = arith.constant 8 : i32
        %mul3A_176 = arith.muli %add3A_174, %mul3A_175 : i32
        %sub3A = arith.constant 1 : i32
        %sub3A_177 = arith.subi %sub3A, %rem3A_56 : i32
        %dma_wait3A_178 = arith.constant 0 : i32
        %dma_wait3A_179 = arith.constant 0 : i32
        %dma_wait3A_180 = tpu.memref_slice %arg7[%sub3A_177, %dma_wait3A_178, %dma_wait3A_179] : memref<2x8x128xi32, #tpu.memory_space<vmem>> -> memref<1x8x128xi32, #tpu.memory_space<vmem>>
        %dma_wait3A_181 = tpu.memref_squeeze %dma_wait3A_180 : memref<1x8x128xi32, #tpu.memory_space<vmem>> -> memref<8x128xi32, #tpu.memory_space<vmem>>
        %dma_wait3A_182 = arith.constant 0 : i32
        %dma_wait3A_183 = tpu.memref_slice %arg3[%arg0, %arg1, %mul3A_176, %dma_wait3A_182] : memref<2x16x160x128xi32, #tpu.memory_space<hbm>> -> memref<1x1x8x128xi32, #tpu.memory_space<hbm>>
        %dma_wait3A_184 = tpu.memref_squeeze %dma_wait3A_183 : memref<1x1x8x128xi32, #tpu.memory_space<hbm>> -> memref<8x128xi32, #tpu.memory_space<hbm>>
        %dma_wait3A_185 = arith.constant 0 : i32
        %dma_wait3A_186 = arith.constant 0 : i32
        %dma_wait3A_187 = tpu.memref_slice %arg7[%sub3A_177, %dma_wait3A_185, %dma_wait3A_186] : memref<2x8x128xi32, #tpu.memory_space<vmem>> -> memref<1x8x128xi32, #tpu.memory_space<vmem>>
        %dma_wait3A_188 = tpu.memref_squeeze %dma_wait3A_187 : memref<1x8x128xi32, #tpu.memory_space<vmem>> -> memref<8x128xi32, #tpu.memory_space<vmem>>
        %dma_wait3A_189 = arith.constant 0 : i32
        %dma_wait3A_190 = tpu.memref_slice %arg3[%arg0, %arg1, %mul3A_176, %dma_wait3A_189] : memref<2x16x160x128xi32, #tpu.memory_space<hbm>> -> memref<1x1x8x128xi32, #tpu.memory_space<hbm>>
        %dma_wait3A_191 = tpu.memref_squeeze %dma_wait3A_190 : memref<1x1x8x128xi32, #tpu.memory_space<hbm>> -> memref<8x128xi32, #tpu.memory_space<hbm>>
        tpu.wait_dma2 semaphore(%arg13 : memref<!tpu.dma_semaphore, #tpu.memory_space<semaphore_mem>>) src(%dma_wait3A_191 : memref<8x128xi32, #tpu.memory_space<hbm>>) dst(%dma_wait3A_188 : memref<8x128xi32, #tpu.memory_space<vmem>>)
        %add3A_192 = arith.constant 1 : i32
        %add3A_193 = arith.addi %scan3A_55, %add3A_192 : i32
        %mul3A_194 = arith.constant 8 : i32
        %mul3A_195 = arith.muli %add3A_193, %mul3A_194 : i32
        %sub3A_196 = arith.constant 1 : i32
        %sub3A_197 = arith.subi %sub3A_196, %rem3A_56 : i32
        %dma_wait3A_198 = arith.constant 0 : i32
        %dma_wait3A_199 = arith.constant 0 : i32
        %dma_wait3A_200 = tpu.memref_slice %arg8[%sub3A_197, %dma_wait3A_198, %dma_wait3A_199] : memref<2x8x128xi32, #tpu.memory_space<vmem>> -> memref<1x8x128xi32, #tpu.memory_space<vmem>>
        %dma_wait3A_201 = tpu.memref_squeeze %dma_wait3A_200 : memref<1x8x128xi32, #tpu.memory_space<vmem>> -> memref<8x128xi32, #tpu.memory_space<vmem>>
        %dma_wait3A_202 = arith.constant 0 : i32
        %dma_wait3A_203 = tpu.memref_slice %arg4[%arg0, %arg1, %mul3A_195, %dma_wait3A_202] : memref<2x16x160x128xi32, #tpu.memory_space<hbm>> -> memref<1x1x8x128xi32, #tpu.memory_space<hbm>>
        %dma_wait3A_204 = tpu.memref_squeeze %dma_wait3A_203 : memref<1x1x8x128xi32, #tpu.memory_space<hbm>> -> memref<8x128xi32, #tpu.memory_space<hbm>>
        %dma_wait3A_205 = arith.constant 0 : i32
        %dma_wait3A_206 = arith.constant 0 : i32
        %dma_wait3A_207 = tpu.memref_slice %arg8[%sub3A_197, %dma_wait3A_205, %dma_wait3A_206] : memref<2x8x128xi32, #tpu.memory_space<vmem>> -> memref<1x8x128xi32, #tpu.memory_space<vmem>>
        %dma_wait3A_208 = tpu.memref_squeeze %dma_wait3A_207 : memref<1x8x128xi32, #tpu.memory_space<vmem>> -> memref<8x128xi32, #tpu.memory_space<vmem>>
        %dma_wait3A_209 = arith.constant 0 : i32
        %dma_wait3A_210 = tpu.memref_slice %arg4[%arg0, %arg1, %mul3A_195, %dma_wait3A_209] : memref<2x16x160x128xi32, #tpu.memory_space<hbm>> -> memref<1x1x8x128xi32, #tpu.memory_space<hbm>>
        %dma_wait3A_211 = tpu.memref_squeeze %dma_wait3A_210 : memref<1x1x8x128xi32, #tpu.memory_space<hbm>> -> memref<8x128xi32, #tpu.memory_space<hbm>>
        tpu.wait_dma2 semaphore(%arg13 : memref<!tpu.dma_semaphore, #tpu.memory_space<semaphore_mem>>) src(%dma_wait3A_211 : memref<8x128xi32, #tpu.memory_space<hbm>>) dst(%dma_wait3A_208 : memref<8x128xi32, #tpu.memory_space<vmem>>)
        %add3A_212 = arith.constant 2 : i32
        %add3A_213 = arith.addi %scan3A_55, %add3A_212 : i32
        %lt3A_214 = arith.constant 20 : i32
        %lt3A_215 = arith.cmpi slt, %add3A_213, %lt3A_214 : i32
        %convert_element_type3A_216 = arith.extui %lt3A_215 : i1 to i32
        %cond3A_217 = arith.constant 0 : i32
        %cond3A_218 = arith.cmpi ne, %convert_element_type3A_216, %cond3A_217 : i32
        scf.if %cond3A_218 {
          %add3A_228 = arith.constant 2 : i32
          %add3A_229 = arith.addi %scan3A_55, %add3A_228 : i32
          %mul3A_230 = arith.constant 8 : i32
          %mul3A_231 = arith.muli %add3A_229, %mul3A_230 : i32
          %dma_start3A_232 = arith.constant 0 : i32
          %dma_start3A_233 = arith.constant 0 : i32
          %dma_start3A_234 = tpu.memref_slice %arg7[%rem3A_56, %dma_start3A_232, %dma_start3A_233] : memref<2x8x128xi32, #tpu.memory_space<vmem>> -> memref<1x8x128xi32, #tpu.memory_space<vmem>>
          %dma_start3A_235 = tpu.memref_squeeze %dma_start3A_234 : memref<1x8x128xi32, #tpu.memory_space<vmem>> -> memref<8x128xi32, #tpu.memory_space<vmem>>
          %dma_start3A_236 = arith.constant 0 : i32
          %dma_start3A_237 = tpu.memref_slice %arg3[%arg0, %arg1, %mul3A_231, %dma_start3A_236] : memref<2x16x160x128xi32, #tpu.memory_space<hbm>> -> memref<1x1x8x128xi32, #tpu.memory_space<hbm>>
          %dma_start3A_238 = tpu.memref_squeeze %dma_start3A_237 : memref<1x1x8x128xi32, #tpu.memory_space<hbm>> -> memref<8x128xi32, #tpu.memory_space<hbm>>
          %dma_start3A_239 = arith.constant 0 : i32
          %dma_start3A_240 = arith.constant 0 : i32
          %dma_start3A_241 = tpu.memref_slice %arg7[%rem3A_56, %dma_start3A_239, %dma_start3A_240] : memref<2x8x128xi32, #tpu.memory_space<vmem>> -> memref<1x8x128xi32, #tpu.memory_space<vmem>>
          %dma_start3A_242 = tpu.memref_squeeze %dma_start3A_241 : memref<1x8x128xi32, #tpu.memory_space<vmem>> -> memref<8x128xi32, #tpu.memory_space<vmem>>
          %dma_start3A_243 = arith.constant 0 : i32
          %dma_start3A_244 = tpu.memref_slice %arg3[%arg0, %arg1, %mul3A_231, %dma_start3A_243] : memref<2x16x160x128xi32, #tpu.memory_space<hbm>> -> memref<1x1x8x128xi32, #tpu.memory_space<hbm>>
          %dma_start3A_245 = tpu.memref_squeeze %dma_start3A_244 : memref<1x1x8x128xi32, #tpu.memory_space<hbm>> -> memref<8x128xi32, #tpu.memory_space<hbm>>
          tpu.enqueue_dma source(%dma_start3A_245 : memref<8x128xi32, #tpu.memory_space<hbm>>) target(%dma_start3A_242 : memref<8x128xi32, #tpu.memory_space<vmem>>) target_semaphore(%arg13 : memref<!tpu.dma_semaphore, #tpu.memory_space<semaphore_mem>>)
          %add3A_246 = arith.constant 2 : i32
          %add3A_247 = arith.addi %scan3A_55, %add3A_246 : i32
          %mul3A_248 = arith.constant 8 : i32
          %mul3A_249 = arith.muli %add3A_247, %mul3A_248 : i32
          %dma_start3A_250 = arith.constant 0 : i32
          %dma_start3A_251 = arith.constant 0 : i32
          %dma_start3A_252 = tpu.memref_slice %arg8[%rem3A_56, %dma_start3A_250, %dma_start3A_251] : memref<2x8x128xi32, #tpu.memory_space<vmem>> -> memref<1x8x128xi32, #tpu.memory_space<vmem>>
          %dma_start3A_253 = tpu.memref_squeeze %dma_start3A_252 : memref<1x8x128xi32, #tpu.memory_space<vmem>> -> memref<8x128xi32, #tpu.memory_space<vmem>>
          %dma_start3A_254 = arith.constant 0 : i32
          %dma_start3A_255 = tpu.memref_slice %arg4[%arg0, %arg1, %mul3A_249, %dma_start3A_254] : memref<2x16x160x128xi32, #tpu.memory_space<hbm>> -> memref<1x1x8x128xi32, #tpu.memory_space<hbm>>
          %dma_start3A_256 = tpu.memref_squeeze %dma_start3A_255 : memref<1x1x8x128xi32, #tpu.memory_space<hbm>> -> memref<8x128xi32, #tpu.memory_space<hbm>>
          %dma_start3A_257 = arith.constant 0 : i32
          %dma_start3A_258 = arith.constant 0 : i32
          %dma_start3A_259 = tpu.memref_slice %arg8[%rem3A_56, %dma_start3A_257, %dma_start3A_258] : memref<2x8x128xi32, #tpu.memory_space<vmem>> -> memref<1x8x128xi32, #tpu.memory_space<vmem>>
          %dma_start3A_260 = tpu.memref_squeeze %dma_start3A_259 : memref<1x8x128xi32, #tpu.memory_space<vmem>> -> memref<8x128xi32, #tpu.memory_space<vmem>>
          %dma_start3A_261 = arith.constant 0 : i32
          %dma_start3A_262 = tpu.memref_slice %arg4[%arg0, %arg1, %mul3A_249, %dma_start3A_261] : memref<2x16x160x128xi32, #tpu.memory_space<hbm>> -> memref<1x1x8x128xi32, #tpu.memory_space<hbm>>
          %dma_start3A_263 = tpu.memref_squeeze %dma_start3A_262 : memref<1x1x8x128xi32, #tpu.memory_space<hbm>> -> memref<8x128xi32, #tpu.memory_space<hbm>>
          tpu.enqueue_dma source(%dma_start3A_263 : memref<8x128xi32, #tpu.memory_space<hbm>>) target(%dma_start3A_260 : memref<8x128xi32, #tpu.memory_space<vmem>>) target_semaphore(%arg13 : memref<!tpu.dma_semaphore, #tpu.memory_space<semaphore_mem>>)
        } else {
        }
        %sub3A_219 = arith.constant 1 : i32
        %sub3A_220 = arith.subi %sub3A_219, %rem3A_56 : i32
        %dma_start3A_221 = arith.constant 0 : i32
        %dma_start3A_222 = arith.constant 0 : i32
        %dma_start3A_223 = tpu.memref_slice %arg7[%sub3A_220, %dma_start3A_221, %dma_start3A_222] : memref<2x8x128xi32, #tpu.memory_space<vmem>> -> memref<1x1x128xi32, #tpu.memory_space<vmem>>
        %dma_start3A_224 = tpu.memref_squeeze %dma_start3A_223 : memref<1x1x128xi32, #tpu.memory_space<vmem>> -> memref<128xi32, #tpu.memory_space<vmem>>
        %dma_start3A_225 = arith.constant 0 : i32
        %dma_start3A_226 = arith.constant 0 : i32
        %dma_start3A_227 = tpu.memref_slice %arg2[%dma_start3A_225, %dma_start3A_226] : memref<20480x128xf32, #tpu.memory_space<hbm>> -> memref<20480x128xf32, #tpu.memory_space<hbm>>
        tpu.enqueue_indirect_dma source(%dma_start3A_227 : memref<20480x128xf32, #tpu.memory_space<hbm>>) target(%arg9 : memref<128x128xf32, #tpu.memory_space<vmem>>) offsets(%dma_start3A_224 : memref<128xi32, #tpu.memory_space<vmem>>) semaphore(%arg11 : memref<!tpu.dma_semaphore, #tpu.memory_space<semaphore_mem>>)
      } else {
      }
    }
    %scan3A_47 = arith.constant 20 : i32
    %barrier3A_48 = arith.constant 0 : index
    tpu.barrier barrier_id(%barrier3A_48)
    %mul3A_49 = arith.constant 640 : i32
    %mul3A_50 = arith.muli %arg1, %mul3A_49 : i32
    %mul3A_51 = arith.constant 10240 : i32
    %mul3A_52 = arith.muli %arg0, %mul3A_51 : i32
    %mul3A_53 = arith.constant 640 : i32
    %mul3A_54 = arith.muli %arg1, %mul3A_53 : i32
    %add3A = arith.addi %mul3A_52, %mul3A_54 : i32
    "tpu.region"() ({
      %run_scoped3A_55 = tpu.sem_alloc : memref<!tpu.dma_semaphore, #tpu.memory_space<semaphore_mem>>
      %dma_start3A_56 = arith.constant 0 : i32
      %dma_start3A_57 = tpu.memref_slice %arg6[%add3A, %dma_start3A_56] : memref<20480x128xf32, #tpu.memory_space<hbm>> -> memref<640x128xf32, #tpu.memory_space<hbm>>
      %dma_start3A_58 = arith.constant 0 : i32
      %dma_start3A_59 = tpu.memref_slice %arg14[%mul3A_50, %dma_start3A_58] : memref<10240x128xf32, #tpu.memory_space<vmem_shared>> -> memref<640x128xf32, #tpu.memory_space<vmem_shared>>
      tpu.enqueue_dma source(%dma_start3A_59 : memref<640x128xf32, #tpu.memory_space<vmem_shared>>) target(%dma_start3A_57 : memref<640x128xf32, #tpu.memory_space<hbm>>) target_semaphore(%run_scoped3A_55 : memref<!tpu.dma_semaphore, #tpu.memory_space<semaphore_mem>>)
      %dma_wait3A = arith.constant 0 : i32
      %dma_wait3A_60 = tpu.memref_slice %arg6[%add3A, %dma_wait3A] : memref<20480x128xf32, #tpu.memory_space<hbm>> -> memref<640x128xf32, #tpu.memory_space<hbm>>
      %dma_wait3A_61 = arith.constant 0 : i32
      %dma_wait3A_62 = tpu.memref_slice %arg14[%mul3A_50, %dma_wait3A_61] : memref<10240x128xf32, #tpu.memory_space<vmem_shared>> -> memref<640x128xf32, #tpu.memory_space<vmem_shared>>
      tpu.wait_dma2 semaphore(%run_scoped3A_55 : memref<!tpu.dma_semaphore, #tpu.memory_space<semaphore_mem>>) src(%dma_wait3A_62 : memref<640x128xf32, #tpu.memory_space<vmem_shared>>) dst(%dma_wait3A_60 : memref<640x128xf32, #tpu.memory_space<hbm>>)
      tpu.yield
    }) : () -> ()
    return
  }
}

#map = affine_map<(d0, d1) -> (0, 0, 0, 0)>
#map1 = affine_map<(d0, d1) -> (0)>
#map2 = affine_map<(d0, d1) -> (0, 0)>
module attributes {stable_mosaic.version = 14 : i64} {
  func.func @_deg_kernel(%arg0: i32, %arg1: i32, %arg2: memref<2x16x160x128xi32, #tpu.memory_space<hbm>>, %arg3: memref<128xf32, #tpu.memory_space<hbm>>, %arg4: memref<640xf32, #tpu.memory_space<hbm>>, %arg5: memref<2x10240xf32, #tpu.memory_space<hbm>>, %arg6: memref<8x128xi32, #tpu.memory_space<vmem>>, %arg7: memref<128xf32, #tpu.memory_space<vmem>>, %arg8: memref<!tpu.dma_semaphore, #tpu.memory_space<semaphore_mem>>, %arg9: memref<10240xf32, #tpu.memory_space<vmem_shared>>) attributes {dimension_semantics = [#tpu.dimension_semantics<core_parallel>, #tpu.dimension_semantics<subcore_parallel>], iteration_bounds = array<i64: 2, 16>, scalar_prefetch = 0 : i64, scratch_operands = 4 : i64, tpu.core_type = #tpu.core_type<sc_vector_subcore>, window_params = [{transform_indices = #map}, {transform_indices = #map1}, {transform_indices = #map1}, {transform_indices = #map2}]} {
    "tpu.region"() ({
      %run_scoped3A = tpu.sem_alloc : memref<!tpu.dma_semaphore, #tpu.memory_space<semaphore_mem>>
      tpu.enqueue_dma source(%arg3 : memref<128xf32, #tpu.memory_space<hbm>>) target(%arg7 : memref<128xf32, #tpu.memory_space<vmem>>) target_semaphore(%run_scoped3A : memref<!tpu.dma_semaphore, #tpu.memory_space<semaphore_mem>>)
      tpu.wait_dma2 semaphore(%run_scoped3A : memref<!tpu.dma_semaphore, #tpu.memory_space<semaphore_mem>>) src(%arg3 : memref<128xf32, #tpu.memory_space<hbm>>) dst(%arg7 : memref<128xf32, #tpu.memory_space<vmem>>)
      tpu.yield
    }) : () -> ()
    %mul3A = arith.constant 640 : i32
    %mul3A_0 = arith.muli %arg1, %mul3A : i32
    "tpu.region"() ({
      %run_scoped3A = tpu.sem_alloc : memref<!tpu.dma_semaphore, #tpu.memory_space<semaphore_mem>>
      %dma_start3A = tpu.memref_slice %arg9[%mul3A_0] : memref<10240xf32, #tpu.memory_space<vmem_shared>> -> memref<640xf32, #tpu.memory_space<vmem_shared>>
      tpu.enqueue_dma source(%arg4 : memref<640xf32, #tpu.memory_space<hbm>>) target(%dma_start3A : memref<640xf32, #tpu.memory_space<vmem_shared>>) target_semaphore(%run_scoped3A : memref<!tpu.dma_semaphore, #tpu.memory_space<semaphore_mem>>)
      %dma_wait3A = tpu.memref_slice %arg9[%mul3A_0] : memref<10240xf32, #tpu.memory_space<vmem_shared>> -> memref<640xf32, #tpu.memory_space<vmem_shared>>
      tpu.wait_dma2 semaphore(%run_scoped3A : memref<!tpu.dma_semaphore, #tpu.memory_space<semaphore_mem>>) src(%arg4 : memref<640xf32, #tpu.memory_space<hbm>>) dst(%dma_wait3A : memref<640xf32, #tpu.memory_space<vmem_shared>>)
      tpu.yield
    }) : () -> ()
    %barrier3A = arith.constant 0 : index
    tpu.barrier barrier_id(%barrier3A)
    %scan3A = arith.constant 0 : i32
    %scan3A_1 = arith.constant 0 : i32
    %scan3A_2 = arith.constant 20 : i32
    %scan3A_3 = arith.addi %scan3A_1, %scan3A_2 : i32
    %scan3A_4 = arith.constant 1 : i32
    scf.for %scan3A_11 = %scan3A_1 to %scan3A_3 step %scan3A_4  : i32 {
      %mul3A_12 = arith.constant 8 : i32
      %mul3A_13 = arith.muli %scan3A_11, %mul3A_12 : i32
      "tpu.region"() ({
        %run_scoped3A_21 = tpu.sem_alloc : memref<!tpu.dma_semaphore, #tpu.memory_space<semaphore_mem>>
        %dma_start3A = arith.constant 0 : i32
        %dma_start3A_22 = tpu.memref_slice %arg2[%arg0, %arg1, %mul3A_13, %dma_start3A] : memref<2x16x160x128xi32, #tpu.memory_space<hbm>> -> memref<1x1x8x128xi32, #tpu.memory_space<hbm>>
        %dma_start3A_23 = tpu.memref_squeeze %dma_start3A_22 : memref<1x1x8x128xi32, #tpu.memory_space<hbm>> -> memref<8x128xi32, #tpu.memory_space<hbm>>
        %dma_start3A_24 = arith.constant 0 : i32
        %dma_start3A_25 = tpu.memref_slice %arg2[%arg0, %arg1, %mul3A_13, %dma_start3A_24] : memref<2x16x160x128xi32, #tpu.memory_space<hbm>> -> memref<1x1x8x128xi32, #tpu.memory_space<hbm>>
        %dma_start3A_26 = tpu.memref_squeeze %dma_start3A_25 : memref<1x1x8x128xi32, #tpu.memory_space<hbm>> -> memref<8x128xi32, #tpu.memory_space<hbm>>
        tpu.enqueue_dma source(%dma_start3A_26 : memref<8x128xi32, #tpu.memory_space<hbm>>) target(%arg6 : memref<8x128xi32, #tpu.memory_space<vmem>>) target_semaphore(%run_scoped3A_21 : memref<!tpu.dma_semaphore, #tpu.memory_space<semaphore_mem>>)
        %dma_wait3A = arith.constant 0 : i32
        %dma_wait3A_27 = tpu.memref_slice %arg2[%arg0, %arg1, %mul3A_13, %dma_wait3A] : memref<2x16x160x128xi32, #tpu.memory_space<hbm>> -> memref<1x1x8x128xi32, #tpu.memory_space<hbm>>
        %dma_wait3A_28 = tpu.memref_squeeze %dma_wait3A_27 : memref<1x1x8x128xi32, #tpu.memory_space<hbm>> -> memref<8x128xi32, #tpu.memory_space<hbm>>
        %dma_wait3A_29 = arith.constant 0 : i32
        %dma_wait3A_30 = tpu.memref_slice %arg2[%arg0, %arg1, %mul3A_13, %dma_wait3A_29] : memref<2x16x160x128xi32, #tpu.memory_space<hbm>> -> memref<1x1x8x128xi32, #tpu.memory_space<hbm>>
        %dma_wait3A_31 = tpu.memref_squeeze %dma_wait3A_30 : memref<1x1x8x128xi32, #tpu.memory_space<hbm>> -> memref<8x128xi32, #tpu.memory_space<hbm>>
        tpu.wait_dma2 semaphore(%run_scoped3A_21 : memref<!tpu.dma_semaphore, #tpu.memory_space<semaphore_mem>>) src(%dma_wait3A_31 : memref<8x128xi32, #tpu.memory_space<hbm>>) dst(%arg6 : memref<8x128xi32, #tpu.memory_space<vmem>>)
        tpu.yield
      }) : () -> ()
      %run_scoped3A = arith.constant 0 : i32
      "tpu.region"() ({
        %run_scoped3A_21 = tpu.sem_alloc : memref<!tpu.dma_semaphore, #tpu.memory_space<semaphore_mem>>
        %dma_start3A = arith.constant 0 : i32
        %dma_start3A_22 = tpu.memref_slice %arg6[%run_scoped3A, %dma_start3A] : memref<8x128xi32, #tpu.memory_space<vmem>> -> memref<1x128xi32, #tpu.memory_space<vmem>>
        %dma_start3A_23 = tpu.memref_squeeze %dma_start3A_22 : memref<1x128xi32, #tpu.memory_space<vmem>> -> memref<128xi32, #tpu.memory_space<vmem>>
        %dma_start3A_24 = arith.constant 0 : i32
        %dma_start3A_25 = tpu.memref_slice %arg9[%dma_start3A_24] : memref<10240xf32, #tpu.memory_space<vmem_shared>> -> memref<10240xf32, #tpu.memory_space<vmem_shared>>
        tpu.enqueue_indirect_dma source(%arg7 : memref<128xf32, #tpu.memory_space<vmem>>) target(%dma_start3A_25 : memref<10240xf32, #tpu.memory_space<vmem_shared>>) offsets(%dma_start3A_23 : memref<128xi32, #tpu.memory_space<vmem>>) semaphore(%run_scoped3A_21 : memref<!tpu.dma_semaphore, #tpu.memory_space<semaphore_mem>>) {add = true}
        %dma_wait3A = arith.constant 0 : i32
        %dma_wait3A_26 = tpu.memref_slice %arg6[%run_scoped3A, %dma_wait3A] : memref<8x128xi32, #tpu.memory_space<vmem>> -> memref<1x128xi32, #tpu.memory_space<vmem>>
        %dma_wait3A_27 = tpu.memref_squeeze %dma_wait3A_26 : memref<1x128xi32, #tpu.memory_space<vmem>> -> memref<128xi32, #tpu.memory_space<vmem>>
        %dma_wait3A_28 = arith.constant 0 : i32
        %dma_wait3A_29 = tpu.memref_slice %arg9[%dma_wait3A_28] : memref<10240xf32, #tpu.memory_space<vmem_shared>> -> memref<10240xf32, #tpu.memory_space<vmem_shared>>
        tpu.wait_indirect_dma semaphore(%run_scoped3A_21 : memref<!tpu.dma_semaphore, #tpu.memory_space<semaphore_mem>>) src(%arg7 : memref<128xf32, #tpu.memory_space<vmem>>) dst(%dma_wait3A_29 : memref<10240xf32, #tpu.memory_space<vmem_shared>>)
        tpu.yield
      }) : () -> ()
      %run_scoped3A_14 = arith.constant 1 : i32
      "tpu.region"() ({
        %run_scoped3A_21 = tpu.sem_alloc : memref<!tpu.dma_semaphore, #tpu.memory_space<semaphore_mem>>
        %dma_start3A = arith.constant 0 : i32
        %dma_start3A_22 = tpu.memref_slice %arg6[%run_scoped3A_14, %dma_start3A] : memref<8x128xi32, #tpu.memory_space<vmem>> -> memref<1x128xi32, #tpu.memory_space<vmem>>
        %dma_start3A_23 = tpu.memref_squeeze %dma_start3A_22 : memref<1x128xi32, #tpu.memory_space<vmem>> -> memref<128xi32, #tpu.memory_space<vmem>>
        %dma_start3A_24 = arith.constant 0 : i32
        %dma_start3A_25 = tpu.memref_slice %arg9[%dma_start3A_24] : memref<10240xf32, #tpu.memory_space<vmem_shared>> -> memref<10240xf32, #tpu.memory_space<vmem_shared>>
        tpu.enqueue_indirect_dma source(%arg7 : memref<128xf32, #tpu.memory_space<vmem>>) target(%dma_start3A_25 : memref<10240xf32, #tpu.memory_space<vmem_shared>>) offsets(%dma_start3A_23 : memref<128xi32, #tpu.memory_space<vmem>>) semaphore(%run_scoped3A_21 : memref<!tpu.dma_semaphore, #tpu.memory_space<semaphore_mem>>) {add = true}
        %dma_wait3A = arith.constant 0 : i32
        %dma_wait3A_26 = tpu.memref_slice %arg6[%run_scoped3A_14, %dma_wait3A] : memref<8x128xi32, #tpu.memory_space<vmem>> -> memref<1x128xi32, #tpu.memory_space<vmem>>
        %dma_wait3A_27 = tpu.memref_squeeze %dma_wait3A_26 : memref<1x128xi32, #tpu.memory_space<vmem>> -> memref<128xi32, #tpu.memory_space<vmem>>
        %dma_wait3A_28 = arith.constant 0 : i32
        %dma_wait3A_29 = tpu.memref_slice %arg9[%dma_wait3A_28] : memref<10240xf32, #tpu.memory_space<vmem_shared>> -> memref<10240xf32, #tpu.memory_space<vmem_shared>>
        tpu.wait_indirect_dma semaphore(%run_scoped3A_21 : memref<!tpu.dma_semaphore, #tpu.memory_space<semaphore_mem>>) src(%arg7 : memref<128xf32, #tpu.memory_space<vmem>>) dst(%dma_wait3A_29 : memref<10240xf32, #tpu.memory_space<vmem_shared>>)
        tpu.yield
      }) : () -> ()
      %run_scoped3A_15 = arith.constant 2 : i32
      "tpu.region"() ({
        %run_scoped3A_21 = tpu.sem_alloc : memref<!tpu.dma_semaphore, #tpu.memory_space<semaphore_mem>>
        %dma_start3A = arith.constant 0 : i32
        %dma_start3A_22 = tpu.memref_slice %arg6[%run_scoped3A_15, %dma_start3A] : memref<8x128xi32, #tpu.memory_space<vmem>> -> memref<1x128xi32, #tpu.memory_space<vmem>>
        %dma_start3A_23 = tpu.memref_squeeze %dma_start3A_22 : memref<1x128xi32, #tpu.memory_space<vmem>> -> memref<128xi32, #tpu.memory_space<vmem>>
        %dma_start3A_24 = arith.constant 0 : i32
        %dma_start3A_25 = tpu.memref_slice %arg9[%dma_start3A_24] : memref<10240xf32, #tpu.memory_space<vmem_shared>> -> memref<10240xf32, #tpu.memory_space<vmem_shared>>
        tpu.enqueue_indirect_dma source(%arg7 : memref<128xf32, #tpu.memory_space<vmem>>) target(%dma_start3A_25 : memref<10240xf32, #tpu.memory_space<vmem_shared>>) offsets(%dma_start3A_23 : memref<128xi32, #tpu.memory_space<vmem>>) semaphore(%run_scoped3A_21 : memref<!tpu.dma_semaphore, #tpu.memory_space<semaphore_mem>>) {add = true}
        %dma_wait3A = arith.constant 0 : i32
        %dma_wait3A_26 = tpu.memref_slice %arg6[%run_scoped3A_15, %dma_wait3A] : memref<8x128xi32, #tpu.memory_space<vmem>> -> memref<1x128xi32, #tpu.memory_space<vmem>>
        %dma_wait3A_27 = tpu.memref_squeeze %dma_wait3A_26 : memref<1x128xi32, #tpu.memory_space<vmem>> -> memref<128xi32, #tpu.memory_space<vmem>>
        %dma_wait3A_28 = arith.constant 0 : i32
        %dma_wait3A_29 = tpu.memref_slice %arg9[%dma_wait3A_28] : memref<10240xf32, #tpu.memory_space<vmem_shared>> -> memref<10240xf32, #tpu.memory_space<vmem_shared>>
        tpu.wait_indirect_dma semaphore(%run_scoped3A_21 : memref<!tpu.dma_semaphore, #tpu.memory_space<semaphore_mem>>) src(%arg7 : memref<128xf32, #tpu.memory_space<vmem>>) dst(%dma_wait3A_29 : memref<10240xf32, #tpu.memory_space<vmem_shared>>)
        tpu.yield
      }) : () -> ()
      %run_scoped3A_16 = arith.constant 3 : i32
      "tpu.region"() ({
        %run_scoped3A_21 = tpu.sem_alloc : memref<!tpu.dma_semaphore, #tpu.memory_space<semaphore_mem>>
        %dma_start3A = arith.constant 0 : i32
        %dma_start3A_22 = tpu.memref_slice %arg6[%run_scoped3A_16, %dma_start3A] : memref<8x128xi32, #tpu.memory_space<vmem>> -> memref<1x128xi32, #tpu.memory_space<vmem>>
        %dma_start3A_23 = tpu.memref_squeeze %dma_start3A_22 : memref<1x128xi32, #tpu.memory_space<vmem>> -> memref<128xi32, #tpu.memory_space<vmem>>
        %dma_start3A_24 = arith.constant 0 : i32
        %dma_start3A_25 = tpu.memref_slice %arg9[%dma_start3A_24] : memref<10240xf32, #tpu.memory_space<vmem_shared>> -> memref<10240xf32, #tpu.memory_space<vmem_shared>>
        tpu.enqueue_indirect_dma source(%arg7 : memref<128xf32, #tpu.memory_space<vmem>>) target(%dma_start3A_25 : memref<10240xf32, #tpu.memory_space<vmem_shared>>) offsets(%dma_start3A_23 : memref<128xi32, #tpu.memory_space<vmem>>) semaphore(%run_scoped3A_21 : memref<!tpu.dma_semaphore, #tpu.memory_space<semaphore_mem>>) {add = true}
        %dma_wait3A = arith.constant 0 : i32
        %dma_wait3A_26 = tpu.memref_slice %arg6[%run_scoped3A_16, %dma_wait3A] : memref<8x128xi32, #tpu.memory_space<vmem>> -> memref<1x128xi32, #tpu.memory_space<vmem>>
        %dma_wait3A_27 = tpu.memref_squeeze %dma_wait3A_26 : memref<1x128xi32, #tpu.memory_space<vmem>> -> memref<128xi32, #tpu.memory_space<vmem>>
        %dma_wait3A_28 = arith.constant 0 : i32
        %dma_wait3A_29 = tpu.memref_slice %arg9[%dma_wait3A_28] : memref<10240xf32, #tpu.memory_space<vmem_shared>> -> memref<10240xf32, #tpu.memory_space<vmem_shared>>
        tpu.wait_indirect_dma semaphore(%run_scoped3A_21 : memref<!tpu.dma_semaphore, #tpu.memory_space<semaphore_mem>>) src(%arg7 : memref<128xf32, #tpu.memory_space<vmem>>) dst(%dma_wait3A_29 : memref<10240xf32, #tpu.memory_space<vmem_shared>>)
        tpu.yield
      }) : () -> ()
      %run_scoped3A_17 = arith.constant 4 : i32
      "tpu.region"() ({
        %run_scoped3A_21 = tpu.sem_alloc : memref<!tpu.dma_semaphore, #tpu.memory_space<semaphore_mem>>
        %dma_start3A = arith.constant 0 : i32
        %dma_start3A_22 = tpu.memref_slice %arg6[%run_scoped3A_17, %dma_start3A] : memref<8x128xi32, #tpu.memory_space<vmem>> -> memref<1x128xi32, #tpu.memory_space<vmem>>
        %dma_start3A_23 = tpu.memref_squeeze %dma_start3A_22 : memref<1x128xi32, #tpu.memory_space<vmem>> -> memref<128xi32, #tpu.memory_space<vmem>>
        %dma_start3A_24 = arith.constant 0 : i32
        %dma_start3A_25 = tpu.memref_slice %arg9[%dma_start3A_24] : memref<10240xf32, #tpu.memory_space<vmem_shared>> -> memref<10240xf32, #tpu.memory_space<vmem_shared>>
        tpu.enqueue_indirect_dma source(%arg7 : memref<128xf32, #tpu.memory_space<vmem>>) target(%dma_start3A_25 : memref<10240xf32, #tpu.memory_space<vmem_shared>>) offsets(%dma_start3A_23 : memref<128xi32, #tpu.memory_space<vmem>>) semaphore(%run_scoped3A_21 : memref<!tpu.dma_semaphore, #tpu.memory_space<semaphore_mem>>) {add = true}
        %dma_wait3A = arith.constant 0 : i32
        %dma_wait3A_26 = tpu.memref_slice %arg6[%run_scoped3A_17, %dma_wait3A] : memref<8x128xi32, #tpu.memory_space<vmem>> -> memref<1x128xi32, #tpu.memory_space<vmem>>
        %dma_wait3A_27 = tpu.memref_squeeze %dma_wait3A_26 : memref<1x128xi32, #tpu.memory_space<vmem>> -> memref<128xi32, #tpu.memory_space<vmem>>
        %dma_wait3A_28 = arith.constant 0 : i32
        %dma_wait3A_29 = tpu.memref_slice %arg9[%dma_wait3A_28] : memref<10240xf32, #tpu.memory_space<vmem_shared>> -> memref<10240xf32, #tpu.memory_space<vmem_shared>>
        tpu.wait_indirect_dma semaphore(%run_scoped3A_21 : memref<!tpu.dma_semaphore, #tpu.memory_space<semaphore_mem>>) src(%arg7 : memref<128xf32, #tpu.memory_space<vmem>>) dst(%dma_wait3A_29 : memref<10240xf32, #tpu.memory_space<vmem_shared>>)
        tpu.yield
      }) : () -> ()
      %run_scoped3A_18 = arith.constant 5 : i32
      "tpu.region"() ({
        %run_scoped3A_21 = tpu.sem_alloc : memref<!tpu.dma_semaphore, #tpu.memory_space<semaphore_mem>>
        %dma_start3A = arith.constant 0 : i32
        %dma_start3A_22 = tpu.memref_slice %arg6[%run_scoped3A_18, %dma_start3A] : memref<8x128xi32, #tpu.memory_space<vmem>> -> memref<1x128xi32, #tpu.memory_space<vmem>>
        %dma_start3A_23 = tpu.memref_squeeze %dma_start3A_22 : memref<1x128xi32, #tpu.memory_space<vmem>> -> memref<128xi32, #tpu.memory_space<vmem>>
        %dma_start3A_24 = arith.constant 0 : i32
        %dma_start3A_25 = tpu.memref_slice %arg9[%dma_start3A_24] : memref<10240xf32, #tpu.memory_space<vmem_shared>> -> memref<10240xf32, #tpu.memory_space<vmem_shared>>
        tpu.enqueue_indirect_dma source(%arg7 : memref<128xf32, #tpu.memory_space<vmem>>) target(%dma_start3A_25 : memref<10240xf32, #tpu.memory_space<vmem_shared>>) offsets(%dma_start3A_23 : memref<128xi32, #tpu.memory_space<vmem>>) semaphore(%run_scoped3A_21 : memref<!tpu.dma_semaphore, #tpu.memory_space<semaphore_mem>>) {add = true}
        %dma_wait3A = arith.constant 0 : i32
        %dma_wait3A_26 = tpu.memref_slice %arg6[%run_scoped3A_18, %dma_wait3A] : memref<8x128xi32, #tpu.memory_space<vmem>> -> memref<1x128xi32, #tpu.memory_space<vmem>>
        %dma_wait3A_27 = tpu.memref_squeeze %dma_wait3A_26 : memref<1x128xi32, #tpu.memory_space<vmem>> -> memref<128xi32, #tpu.memory_space<vmem>>
        %dma_wait3A_28 = arith.constant 0 : i32
        %dma_wait3A_29 = tpu.memref_slice %arg9[%dma_wait3A_28] : memref<10240xf32, #tpu.memory_space<vmem_shared>> -> memref<10240xf32, #tpu.memory_space<vmem_shared>>
        tpu.wait_indirect_dma semaphore(%run_scoped3A_21 : memref<!tpu.dma_semaphore, #tpu.memory_space<semaphore_mem>>) src(%arg7 : memref<128xf32, #tpu.memory_space<vmem>>) dst(%dma_wait3A_29 : memref<10240xf32, #tpu.memory_space<vmem_shared>>)
        tpu.yield
      }) : () -> ()
      %run_scoped3A_19 = arith.constant 6 : i32
      "tpu.region"() ({
        %run_scoped3A_21 = tpu.sem_alloc : memref<!tpu.dma_semaphore, #tpu.memory_space<semaphore_mem>>
        %dma_start3A = arith.constant 0 : i32
        %dma_start3A_22 = tpu.memref_slice %arg6[%run_scoped3A_19, %dma_start3A] : memref<8x128xi32, #tpu.memory_space<vmem>> -> memref<1x128xi32, #tpu.memory_space<vmem>>
        %dma_start3A_23 = tpu.memref_squeeze %dma_start3A_22 : memref<1x128xi32, #tpu.memory_space<vmem>> -> memref<128xi32, #tpu.memory_space<vmem>>
        %dma_start3A_24 = arith.constant 0 : i32
        %dma_start3A_25 = tpu.memref_slice %arg9[%dma_start3A_24] : memref<10240xf32, #tpu.memory_space<vmem_shared>> -> memref<10240xf32, #tpu.memory_space<vmem_shared>>
        tpu.enqueue_indirect_dma source(%arg7 : memref<128xf32, #tpu.memory_space<vmem>>) target(%dma_start3A_25 : memref<10240xf32, #tpu.memory_space<vmem_shared>>) offsets(%dma_start3A_23 : memref<128xi32, #tpu.memory_space<vmem>>) semaphore(%run_scoped3A_21 : memref<!tpu.dma_semaphore, #tpu.memory_space<semaphore_mem>>) {add = true}
        %dma_wait3A = arith.constant 0 : i32
        %dma_wait3A_26 = tpu.memref_slice %arg6[%run_scoped3A_19, %dma_wait3A] : memref<8x128xi32, #tpu.memory_space<vmem>> -> memref<1x128xi32, #tpu.memory_space<vmem>>
        %dma_wait3A_27 = tpu.memref_squeeze %dma_wait3A_26 : memref<1x128xi32, #tpu.memory_space<vmem>> -> memref<128xi32, #tpu.memory_space<vmem>>
        %dma_wait3A_28 = arith.constant 0 : i32
        %dma_wait3A_29 = tpu.memref_slice %arg9[%dma_wait3A_28] : memref<10240xf32, #tpu.memory_space<vmem_shared>> -> memref<10240xf32, #tpu.memory_space<vmem_shared>>
        tpu.wait_indirect_dma semaphore(%run_scoped3A_21 : memref<!tpu.dma_semaphore, #tpu.memory_space<semaphore_mem>>) src(%arg7 : memref<128xf32, #tpu.memory_space<vmem>>) dst(%dma_wait3A_29 : memref<10240xf32, #tpu.memory_space<vmem_shared>>)
        tpu.yield
      }) : () -> ()
      %run_scoped3A_20 = arith.constant 7 : i32
      "tpu.region"() ({
        %run_scoped3A_21 = tpu.sem_alloc : memref<!tpu.dma_semaphore, #tpu.memory_space<semaphore_mem>>
        %dma_start3A = arith.constant 0 : i32
        %dma_start3A_22 = tpu.memref_slice %arg6[%run_scoped3A_20, %dma_start3A] : memref<8x128xi32, #tpu.memory_space<vmem>> -> memref<1x128xi32, #tpu.memory_space<vmem>>
        %dma_start3A_23 = tpu.memref_squeeze %dma_start3A_22 : memref<1x128xi32, #tpu.memory_space<vmem>> -> memref<128xi32, #tpu.memory_space<vmem>>
        %dma_start3A_24 = arith.constant 0 : i32
        %dma_start3A_25 = tpu.memref_slice %arg9[%dma_start3A_24] : memref<10240xf32, #tpu.memory_space<vmem_shared>> -> memref<10240xf32, #tpu.memory_space<vmem_shared>>
        tpu.enqueue_indirect_dma source(%arg7 : memref<128xf32, #tpu.memory_space<vmem>>) target(%dma_start3A_25 : memref<10240xf32, #tpu.memory_space<vmem_shared>>) offsets(%dma_start3A_23 : memref<128xi32, #tpu.memory_space<vmem>>) semaphore(%run_scoped3A_21 : memref<!tpu.dma_semaphore, #tpu.memory_space<semaphore_mem>>) {add = true}
        %dma_wait3A = arith.constant 0 : i32
        %dma_wait3A_26 = tpu.memref_slice %arg6[%run_scoped3A_20, %dma_wait3A] : memref<8x128xi32, #tpu.memory_space<vmem>> -> memref<1x128xi32, #tpu.memory_space<vmem>>
        %dma_wait3A_27 = tpu.memref_squeeze %dma_wait3A_26 : memref<1x128xi32, #tpu.memory_space<vmem>> -> memref<128xi32, #tpu.memory_space<vmem>>
        %dma_wait3A_28 = arith.constant 0 : i32
        %dma_wait3A_29 = tpu.memref_slice %arg9[%dma_wait3A_28] : memref<10240xf32, #tpu.memory_space<vmem_shared>> -> memref<10240xf32, #tpu.memory_space<vmem_shared>>
        tpu.wait_indirect_dma semaphore(%run_scoped3A_21 : memref<!tpu.dma_semaphore, #tpu.memory_space<semaphore_mem>>) src(%arg7 : memref<128xf32, #tpu.memory_space<vmem>>) dst(%dma_wait3A_29 : memref<10240xf32, #tpu.memory_space<vmem_shared>>)
        tpu.yield
      }) : () -> ()
    }
    %scan3A_5 = arith.constant 20 : i32
    %barrier3A_6 = arith.constant 0 : index
    tpu.barrier barrier_id(%barrier3A_6)
    %mul3A_7 = arith.constant 640 : i32
    %mul3A_8 = arith.muli %arg1, %mul3A_7 : i32
    %mul3A_9 = arith.constant 640 : i32
    %mul3A_10 = arith.muli %arg1, %mul3A_9 : i32
    "tpu.region"() ({
      %run_scoped3A = tpu.sem_alloc : memref<!tpu.dma_semaphore, #tpu.memory_space<semaphore_mem>>
      %dma_start3A = tpu.memref_slice %arg5[%arg0, %mul3A_10] : memref<2x10240xf32, #tpu.memory_space<hbm>> -> memref<1x640xf32, #tpu.memory_space<hbm>>
      %dma_start3A_11 = tpu.memref_squeeze %dma_start3A : memref<1x640xf32, #tpu.memory_space<hbm>> -> memref<640xf32, #tpu.memory_space<hbm>>
      %dma_start3A_12 = tpu.memref_slice %arg9[%mul3A_8] : memref<10240xf32, #tpu.memory_space<vmem_shared>> -> memref<640xf32, #tpu.memory_space<vmem_shared>>
      tpu.enqueue_dma source(%dma_start3A_12 : memref<640xf32, #tpu.memory_space<vmem_shared>>) target(%dma_start3A_11 : memref<640xf32, #tpu.memory_space<hbm>>) target_semaphore(%run_scoped3A : memref<!tpu.dma_semaphore, #tpu.memory_space<semaphore_mem>>)
      %dma_wait3A = tpu.memref_slice %arg5[%arg0, %mul3A_10] : memref<2x10240xf32, #tpu.memory_space<hbm>> -> memref<1x640xf32, #tpu.memory_space<hbm>>
      %dma_wait3A_13 = tpu.memref_squeeze %dma_wait3A : memref<1x640xf32, #tpu.memory_space<hbm>> -> memref<640xf32, #tpu.memory_space<hbm>>
      %dma_wait3A_14 = tpu.memref_slice %arg9[%mul3A_8] : memref<10240xf32, #tpu.memory_space<vmem_shared>> -> memref<640xf32, #tpu.memory_space<vmem_shared>>
      tpu.wait_dma2 semaphore(%run_scoped3A : memref<!tpu.dma_semaphore, #tpu.memory_space<semaphore_mem>>) src(%dma_wait3A_14 : memref<640xf32, #tpu.memory_space<vmem_shared>>) dst(%dma_wait3A_13 : memref<640xf32, #tpu.memory_space<hbm>>)
      tpu.yield
    }) : () -> ()
    return
  }
}

module attributes {stable_mosaic.version = 14 : i64} {
  func.func @_prep_body(%arg0: i32, %arg1: memref<256x128xf32, #tpu.memory_space<vmem>>, %arg2: memref<256x1xf32, #tpu.memory_space<vmem>>, %arg3: memref<128x128xf32, #tpu.memory_space<vmem>>, %arg4: memref<256x128xf32, #tpu.memory_space<vmem>>, %arg5: memref<256x1xf32, #tpu.memory_space<vmem>>) attributes {dimension_semantics = [#tpu.dimension_semantics<arbitrary>], iteration_bounds = array<i64: 80>, scalar_prefetch = 0 : i64, scratch_operands = 0 : i64, tpu.core_type = #tpu.core_type<tc>, window_params = [{transform_indices = @transform_0, window_bounds = array<i64: 256, 128>}, {transform_indices = @transform_1, window_bounds = array<i64: 256, 1>}, {pipeline_mode = #tpu.pipeline_mode<synchronous>, transform_indices = @transform_2, window_bounds = array<i64: 128, 128>}, {transform_indices = @transform_3, window_bounds = array<i64: 256, 128>}, {transform_indices = @transform_4, window_bounds = array<i64: 256, 1>}]} {
    %get3A = arith.constant 0 : index
    %get3A_0 = arith.constant 0 : index
    %get3A_1 = vector.load %arg2[%get3A, %get3A_0] : memref<256x1xf32, #tpu.memory_space<vmem>>, vector<256x1xf32>
    %add3A = arith.constant 1.000000e+00 : f32
    %add3A_2 = vector.broadcast %add3A : f32 to vector<256x1xf32>
    %add3A_3 = arith.addf %get3A_1, %add3A_2 : vector<256x1xf32>
    %rsqrt3A = math.rsqrt %add3A_3 : vector<256x1xf32>
    %get3A_4 = arith.constant 0 : index
    %get3A_5 = arith.constant 0 : index
    %get3A_6 = vector.load %arg1[%get3A_4, %get3A_5] : memref<256x128xf32, #tpu.memory_space<vmem>>, vector<256x128xf32>
    %get3A_7 = arith.constant 0 : index
    %get3A_8 = arith.constant 0 : index
    %get3A_9 = vector.load %arg3[%get3A_7, %get3A_8] : memref<128x128xf32, #tpu.memory_space<vmem>>, vector<128x128xf32>
    %dot_general3A = arith.constant dense<0.000000e+00> : vector<256x128xf32>
    %dot_general3A_10 = tpu.matmul %get3A_6, %get3A_9, %dot_general3A {dimension_numbers = #tpu.dot_dimension_numbers<[1], [0], [0], [1], [0, 0, 1, 1], [], []>, transpose_lhs_hint = false} : vector<256x128xf32>, vector<128x128xf32>, vector<256x128xf32> -> vector<256x128xf32>
    %mul3A = vector.broadcast %rsqrt3A : vector<256x1xf32> to vector<256x128xf32>
    %mul3A_11 = arith.mulf %dot_general3A_10, %mul3A : vector<256x128xf32>
    %swap3A = arith.constant 0 : index
    %swap3A_12 = arith.constant 0 : index
    %swap3A_13 = vector.load %arg4[%swap3A, %swap3A_12] : memref<256x128xf32, #tpu.memory_space<vmem>>, vector<256x128xf32>
    tpu.vector_store %arg4[%swap3A, %swap3A_12], %mul3A_11 {strides = array<i32>} : memref<256x128xf32, #tpu.memory_space<vmem>>, vector<256x128xf32>,
    %swap3A_14 = arith.constant 0 : index
    %swap3A_15 = arith.constant 0 : index
    %swap3A_16 = vector.load %arg5[%swap3A_14, %swap3A_15] : memref<256x1xf32, #tpu.memory_space<vmem>>, vector<256x1xf32>
    tpu.vector_store %arg5[%swap3A_14, %swap3A_15], %rsqrt3A {strides = array<i32>} : memref<256x1xf32, #tpu.memory_space<vmem>>, vector<256x1xf32>,
    return
  }
  func.func @transform_0(%arg0: i32) -> (i32, i32) {
    %c0_i32 = arith.constant 0 : i32
    %c0_i32_0 = arith.constant 0 : i32
    return %arg0, %c0_i32 : i32, i32
  }
  func.func @transform_1(%arg0: i32) -> (i32, i32) {
    %c0_i32 = arith.constant 0 : i32
    %c0_i32_0 = arith.constant 0 : i32
    return %arg0, %c0_i32 : i32, i32
  }
  func.func @transform_2(%arg0: i32) -> (i32, i32) {
    %c0_i32 = arith.constant 0 : i32
    %c0_i32_0 = arith.constant 0 : i32
    %c0_i32_1 = arith.constant 0 : i32
    return %c0_i32, %c0_i32_0 : i32, i32
  }
  func.func @transform_3(%arg0: i32) -> (i32, i32) {
    %c0_i32 = arith.constant 0 : i32
    %c0_i32_0 = arith.constant 0 : i32
    return %arg0, %c0_i32 : i32, i32
  }
  func.func @transform_4(%arg0: i32) -> (i32, i32) {
    %c0_i32 = arith.constant 0 : i32
    %c0_i32_0 = arith.constant 0 : i32
    return %arg0, %c0_i32 : i32, i32
  }
}

module attributes {stable_mosaic.version = 14 : i64} {
  func.func @_finish_body(%arg0: i32, %arg1: memref<256x128xf32, #tpu.memory_space<vmem>>, %arg2: memref<256x128xf32, #tpu.memory_space<vmem>>, %arg3: memref<256x1xf32, #tpu.memory_space<vmem>>, %arg4: memref<1x128xf32, #tpu.memory_space<vmem>>, %arg5: memref<256x128xf32, #tpu.memory_space<vmem>>) attributes {dimension_semantics = [#tpu.dimension_semantics<arbitrary>], iteration_bounds = array<i64: 80>, scalar_prefetch = 0 : i64, scratch_operands = 0 : i64, tpu.core_type = #tpu.core_type<tc>, window_params = [{transform_indices = @transform_0, window_bounds = array<i64: 256, 128>}, {transform_indices = @transform_1, window_bounds = array<i64: 256, 128>}, {transform_indices = @transform_2, window_bounds = array<i64: 256, 1>}, {pipeline_mode = #tpu.pipeline_mode<synchronous>, transform_indices = @transform_3, window_bounds = array<i64: 1, 128>}, {transform_indices = @transform_4, window_bounds = array<i64: 256, 128>}]} {
    %get3A = arith.constant 0 : index
    %get3A_0 = arith.constant 0 : index
    %get3A_1 = vector.load %arg3[%get3A, %get3A_0] : memref<256x1xf32, #tpu.memory_space<vmem>>, vector<256x1xf32>
    %get3A_2 = arith.constant 0 : index
    %get3A_3 = arith.constant 0 : index
    %get3A_4 = vector.load %arg1[%get3A_2, %get3A_3] : memref<256x128xf32, #tpu.memory_space<vmem>>, vector<256x128xf32>
    %get3A_5 = arith.constant 0 : index
    %get3A_6 = arith.constant 0 : index
    %get3A_7 = vector.load %arg2[%get3A_5, %get3A_6] : memref<256x128xf32, #tpu.memory_space<vmem>>, vector<256x128xf32>
    %add3A = arith.addf %get3A_4, %get3A_7 : vector<256x128xf32>
    %mul3A = vector.broadcast %get3A_1 : vector<256x1xf32> to vector<256x128xf32>
    %mul3A_8 = arith.mulf %mul3A, %add3A : vector<256x128xf32>
    %get3A_9 = arith.constant 0 : index
    %get3A_10 = arith.constant 0 : index
    %get3A_11 = vector.load %arg4[%get3A_9, %get3A_10] : memref<1x128xf32, #tpu.memory_space<vmem>>, vector<1x128xf32>
    %add3A_12 = vector.broadcast %get3A_11 : vector<1x128xf32> to vector<256x128xf32>
    %add3A_13 = arith.addf %mul3A_8, %add3A_12 : vector<256x128xf32>
    %max3A = arith.constant 0.000000e+00 : f32
    %max3A_14 = vector.broadcast %max3A : f32 to vector<256x128xf32>
    %max3A_15 = arith.maximumf %add3A_13, %max3A_14 : vector<256x128xf32>
    %swap3A = arith.constant 0 : index
    %swap3A_16 = arith.constant 0 : index
    %swap3A_17 = vector.load %arg5[%swap3A, %swap3A_16] : memref<256x128xf32, #tpu.memory_space<vmem>>, vector<256x128xf32>
    tpu.vector_store %arg5[%swap3A, %swap3A_16], %max3A_15 {strides = array<i32>} : memref<256x128xf32, #tpu.memory_space<vmem>>, vector<256x128xf32>,
    return
  }
  func.func @transform_0(%arg0: i32) -> (i32, i32) {
    %c0_i32 = arith.constant 0 : i32
    %c0_i32_0 = arith.constant 0 : i32
    return %arg0, %c0_i32 : i32, i32
  }
  func.func @transform_1(%arg0: i32) -> (i32, i32) {
    %c0_i32 = arith.constant 0 : i32
    %c0_i32_0 = arith.constant 0 : i32
    return %arg0, %c0_i32 : i32, i32
  }
  func.func @transform_2(%arg0: i32) -> (i32, i32) {
    %c0_i32 = arith.constant 0 : i32
    %c0_i32_0 = arith.constant 0 : i32
    return %arg0, %c0_i32 : i32, i32
  }
  func.func @transform_3(%arg0: i32) -> (i32, i32) {
    %c0_i32 = arith.constant 0 : i32
    %c0_i32_0 = arith.constant 0 : i32
    %c0_i32_1 = arith.constant 0 : i32
    return %c0_i32, %c0_i32_0 : i32, i32
  }
  func.func @transform_4(%arg0: i32) -> (i32, i32) {
    %c0_i32 = arith.constant 0 : i32
    %c0_i32_0 = arith.constant 0 : i32
    return %arg0, %c0_i32 : i32, i32
  }
}

</mosaic_0001>

<sc_bundles>
// kernel: kernel.6.cloned.1.call-start
scs
__scs_entry_jumppad:
0x0: {  	(pc) =	sbr.rel $0x88, $3  }
0x1: {  	(tag) =	ssettag $0x0;
	lr =	simm.s32 $0x1  }
0x2: {  	[smem:$0x3F9B] =	sst lr;
	_ =	strace $0xD0000000  }
0x3: {  	_ = 	snop  }
0x4: {  	_ = 	snop  }
0x5: {  	_ = 	snop  }
0x6: {  	_ = 	snop  }
0x7: {  	_ = 	snop  }
__scs_overlays_trampoline_lowered:
0x8: {  	[smem:$0x3FAA] =	sst s0  }
0x9: {  	[smem:$0x3FAB] =	sst s1  }
0xa: {  	[smem:$0x3FAC] =	sst s2  }
0xb: {  	[smem:$0x3FAD] =	sst s3  }
0xc: {  	[smem:$0x3FAE] =	sst s4  }
0xd: {  	[smem:$0x3FAF] =	sst s5  }
0xe: {  	[smem:$0x3FB0] =	sst s6  }
0xf: {  	[smem:$0x3FB1] =	sst s7  }
0x10: {  	[smem:$0x3FB2] =	sst s8  }
0x11: {  	[smem:$0x3FB3] =	sst s9;
	s0 =	simm.s32 @!p0 $0x0  }
0x12: {  	s1 =	sld [smem:$0x3F99];
	s0 =	simm.s32 @p0 $0x1  }
0x13: {  	[smem:$0x3FB4] =	sst s0;
	s0 =	simm.s32 @!p1 $0x0  }
0x14: {  	s2 =	sld [smem:$0x3F98];
	s0 =	simm.s32 @p1 $0x1  }
0x15: {  	[smem:$0x3FB5] =	sst s0;
	s0 =	simm.s32 @!p2 $0x0  }
0x16: {  	s3 =	sld [smem:$0x3FDB];
	s0 =	simm.s32 @p2 $0x1  }
0x17: {  	s4 =	simm.s32 $0x1BF5;
	[smem:$0x3FB7] =	sst s0  }
0x18: {  	s0 =	sld [smem:$0x3F9A];
	_ =	swait.ge [sflag:s4], $0x0  }
0x19: {  	s7 =	sld [smem:$0x3F9B]  }
0x1a: {  	s8 =	sadd.s32 $0xFFFFE003, lr  }
0x1b: {  	s9 =	sadd.s32 $0xFFFFFEF7, lr;
	s5 =	simm.s32 $0xFFFFFFFF;
	p2 =	slt.u32 s8, $0xFFFFF086  }
0x1c: {  	p1 =	slt.u32 s9, $0xF7A;
	s5 =	simm.s32 @!p2 $0x0  }
0x1d: {  	s5 =	simm.s32 @p1 $0x1;
	p0 =	seq.s32 s7, s2  }
0x1e: {  	s7 =	smul.u32 @!p0 $0xF7A, s2;
	p2 =	seq.s32 @!p0 s5, $0x0  }
0x1f: {  	s9 =	smul.u32 $0xF7A, s1;
	s8 =	simm.s32 @!p0 $0x1BF5;
	p2 =	por !p2, p0  }
0x20: {  	[sflag:s8] =	ssyncset.s32 @!p0 $0xFFFFF086;
	s6 =	sadd.s32 @!p0 s3, s7;
	s7 =	simm.s32 @!p0 $0x108  }
0x21: {  	s3 =	sadd.s32 s3, s9;
	s6 =	sadd.s32 @!p0 $0x88, s6;
	s7 =	simm.s32 @p2 $0x1082  }
0x22: {  	[simem:s7], [sflag:s8] =	dma.local @!p0 [hbm:s6], $0xF7A  }
0x23: {  	s9 =	sor.u32 $0xD0000000, s2;
	s6 =	simm.s32 $0x108;
	_ =	swait.ge @!p0 [sflag:s8], $0x0  }
0x24: {  	s3 =	sadd.s32 $0x88, s3;
	s6 =	simm.s32 @!p1 $0x1082;
	[sflag:s4] =	ssyncset.s32 $0xFFFFF086  }
0x25: {  	[simem:s6], [sflag:s4] =	dma.local [hbm:s3], $0xF7A  }
0x26: {  	[smem:$0x3F9B] =	sst s1;
	(tag) =	ssettag s2;
	_ =	strace s9  }
0x27: {  	s1 =	sld [smem:$0x3FAB]  }
0x28: {  	s2 =	sld [smem:$0x3FAC]  }
0x29: {  	s4 =	sld [smem:$0x3FAE]  }
0x2a: {  	p0 =	seq.s32 s5, $0x0;
	s5 =	sld [smem:$0x3FAF]  }
0x2b: {  	s6 =	sld [smem:$0x3FB0]  }
0x2c: {  	s7 =	sld [smem:$0x3FB1]  }
0x2d: {  	s3 =	simm.s32 $0x108;
	s8 =	sld [smem:$0x3FB2]  }
0x2e: {  	s3 =	simm.s32 @!p0 $0x1082;
	s9 =	sld [smem:$0x3FB3]  }
0x2f: {  	lr =	sadd.s32 s0, s3;
	s0 =	sld [smem:$0x3FAA]  }
0x30: {  	s3 =	sld [smem:$0x3FAD]  }
0x31: {  	[smem:$0x3FB6] =	sst s10  }
0x32: {  	s10 =	sld [smem:$0x3FB4];
	_ =	sdelay $0x3  }
0x33: {  	p0 =	seq.s32 s10, $0x1;
	s10 =	sld [smem:$0x3FB6];
	_ =	sdelay $0x3  }
0x34: {  	[smem:$0x3FB6] =	sst s10  }
0x35: {  	s10 =	sld [smem:$0x3FB5];
	_ =	sdelay $0x3  }
0x36: {  	p1 =	seq.s32 s10, $0x1;
	s10 =	sld [smem:$0x3FB6];
	_ =	sdelay $0x3  }
0x37: {  	[smem:$0x3FB6] =	sst s10  }
0x38: {  	s10 =	sld [smem:$0x3FB7]  }
0x39: {  	_ = 	snop;
	(pc) =	sbr.ind lr, $3  }
0x3a: {  	_ = 	snop  }
0x3b: {  	_ = 	snop  }
0x3c: {  	p2 =	seq.s32 s10, $0x1;
	s10 =	sld [smem:$0x3FB6]  }
0x3d: {  	_ =	shalt  }
0x3e: {  	_ =	shalt  }
0x3f: {  	_ =	shalt  }
0x40: {  	_ =	shalt  }
0x41: {  	_ =	shalt  }
0x42: {  	_ =	shalt  }
0x43: {  	_ =	shalt  }
0x44: {  	_ =	shalt  }
0x45: {  	_ =	shalt  }
0x46: {  	_ =	shalt  }
0x47: {  	_ =	shalt  }
0x48: {  	_ =	shalt  }
0x49: {  	_ =	shalt  }
0x4a: {  	_ =	shalt  }
0x4b: {  	_ =	shalt  }
0x4c: {  	_ =	shalt  }
0x4d: {  	_ =	shalt  }
0x4e: {  	_ =	shalt  }
0x4f: {  	_ =	shalt  }
0x50: {  	_ =	shalt  }
0x51: {  	_ =	shalt  }
0x52: {  	_ =	shalt  }
0x53: {  	_ =	shalt  }
0x54: {  	_ =	shalt  }
0x55: {  	_ =	shalt  }
0x56: {  	_ =	shalt  }
0x57: {  	_ =	shalt  }
0x58: {  	_ =	shalt  }
0x59: {  	_ =	shalt  }
0x5a: {  	_ =	shalt  }
0x5b: {  	_ =	shalt  }
0x5c: {  	_ =	shalt  }
0x5d: {  	_ =	shalt  }
0x5e: {  	_ =	shalt  }
0x5f: {  	_ =	shalt  }
0x60: {  	_ =	shalt  }
0x61: {  	_ =	shalt  }
0x62: {  	_ =	shalt  }
0x63: {  	_ =	shalt  }
0x64: {  	_ =	shalt  }
0x65: {  	_ =	shalt  }
0x66: {  	_ =	shalt  }
0x67: {  	_ =	shalt  }
0x68: {  	_ =	shalt  }
0x69: {  	_ =	shalt  }
0x6a: {  	_ =	shalt  }
0x6b: {  	_ =	shalt  }
0x6c: {  	_ =	shalt  }
0x6d: {  	_ =	shalt  }
0x6e: {  	_ =	shalt  }
0x6f: {  	_ =	shalt  }
0x70: {  	_ =	shalt  }
0x71: {  	_ =	shalt  }
0x72: {  	_ =	shalt  }
0x73: {  	_ =	shalt  }
0x74: {  	_ =	shalt  }
0x75: {  	_ =	shalt  }
0x76: {  	_ =	shalt  }
0x77: {  	_ =	shalt  }
0x78: {  	_ =	shalt  }
0x79: {  	_ =	shalt  }
0x7a: {  	_ =	shalt  }
0x7b: {  	_ =	shalt  }
0x7c: {  	_ =	shalt  }
0x7d: {  	_ =	shalt  }
0x7e: {  	_ =	shalt  }
0x7f: {  	_ =	shalt  }
0x80: {  	_ =	shalt  }
0x81: {  	_ =	shalt  }
0x82: {  	_ =	shalt  }
0x83: {  	_ =	shalt  }
0x84: {  	_ =	shalt  }
0x85: {  	_ =	shalt  }
0x86: {  	_ =	shalt  }
0x87: {  	_ =	shalt  }
.Lfunc_end0:
.L_simem_size_0:
called_computation_lowered:
.L_overlay_start_0:
0x88: {  	s2 =	sld [smem:$0x3FD9]  }
0x89: {  	s3 =	sld [smem:$0x3FFE];
	_ =	sdelay $0x1  }
0x8a: {  	s1 =	srdreg.scid  }
0x8b: {  	s0 =	sand.u32 $0x1, s1  }
0x8c: {  	s14 =	sshll.u32 s0, $0xA;
	s2 =	sadd.s32 s3, s2  }
0x8d: {  	s2 =	sadd.s32 s2, s14  }
0x8e: {  	[smem:$0x3FC2] =	sst s2  }
0x8f: {  	_ = 	snop  }
0x90: {  	s2 =	sld [smem:$0x3FD0];
	_ =	sdelay $0x2  }
0x91: {  	s15 =	simm.s32 $0xA;
	s4 =	simm.s32 $0x10  }
0x92: {  	[smem:s4], [sflag:s15] =	dma.local [hbm:s2], $0x1  }
0x93: {  	_ =	swait.eq [sflag:s15], $0x1  }
0x94: {  	[sflag:s15] =	ssyncset.done $0x0  }
0x95: {  	[sflag:s15] =	ssyncadd.s32 $0xFFFFFFFF  }
0x96: {  	s16 =	sld [smem:$0x10];
	(tm) =	ssettm $0x1  }
0x97: {  	s17 =	sld [smem:$0x3FFB];
	_ =	sdelay $0x3  }
0x98: {  	_ =	strace s17  }
0x99: {  	s3 =	sld [smem:$0x3FFC];
	_ =	sdelay $0x3  }
0x9a: {  	_ =	strace s3  }
0x9b: {  	s3 =	sld [smem:$0x3FFD];
	_ =	sdelay $0x3  }
0x9c: {  	_ =	strace s3  }
0x9d: {  	_ =	strace $0x8FFFFFFF  }
0x9e: {  	s18 =	sld [smem:$0x3FDB];
	_ =	sdelay $0x1  }
0x9f: {  	s19 =	simm.s32 $_scs_section_size  }
0xa0: {  	s5 =	simm.s32 $_size__tile_overlayer_lowered;
	s6 =	simm.s32 $_tile_overlayer_lowered  }
0xa1: {  	s22 =	simm.s32 $0x1BFF;
	s21 =	sshll.u32 s6, $0x1;
	s3 =	sadd.s32 s19, s18  }
0xa2: {  	s7 =	simm.s32 $0x0;
	s20 =	sshll.u32 s5, $0x1;
	s5 =	sadd.s32 s21, s3  }
0xa3: {  	[timem:s7], [sflag:s22] =	dma.local [hbm:s5], s20  }
0xa4: {  	_ =	swait.ge [sflag:s22], s20  }
0xa5: {  	s4 =	ssub.s32 $0x0, s20;
	[sflag:s22] =	ssyncset.done $0x0  }
0xa6: {  	[sflag:s22] =	ssyncadd.s32 s4;
	_ =	sdelay $0x1  }
0xa7: {  	s23 =	simm.s32 $0x1B8B  }
0xa8: {  	_ =	swait.ge [sflag:s23], $0x1  }
0xa9: {  	[sflag:s23] =	ssyncset.done $0x0  }
0xaa: {  	s25 =	simm.s32 $0x1B8E;
	s24 =	sld [smem:$0x3FFE];
	[sflag:s23] =	ssyncadd.s32 $0xFFFFFFFF  }
0xab: {  	s26 =	simm.s32 $execute0_lowered;
	[smem:$0x3FD2] =	sst s25  }
0xac: {  	s5 =	sshll.u32 s26, $0x1;
	_ =	strace $0x80000046;
	[dreg:$0x1] =	wrdreg $0xFFFFFFFF  }
0xad: {  	s28 =	simm.s32 $_size_execute0_lowered;
	s3 =	sadd.s32 s3, s5;
	[dreg:$0x0] =	wrdreg $0x0  }
0xae: {  	s5 =	sshll.u32 s28, $0x1;
	[dreg:$0x2] =	wrdreg s3  }
0xaf: {  	[dreg:$0x3] =	wrdreg s5  }
0xb0: {  	[dreg:$0x4] =	wrdreg $0xC0  }
0xb1: {  	_ =	task [dreg:s7], $0x5FFFF  }
0xb2: {  	[dreg:$0x1] =	wrdreg $0xFFFFFFFF  }
0xb3: {  	[dreg:$0x0] =	wrdreg $0x60  }
0xb4: {  	[dreg:$0x2] =	wrdreg s16  }
0xb5: {  	[dreg:$0x3] =	wrdreg s24  }
0xb6: {  	[dreg:$0x4] =	wrdreg $0x4800  }
0xb7: {  	[dreg:$0x5] =	wrdreg $0x9  }
0xb8: {  	_ =	task.clear_ibuf [dreg:s7], $0x6FFFF;
	_ =	strace $0x90000046  }
0xb9: {  	s29 =	simm.s32 $0x9;
	_ =	strace $0x80000048  }
0xba: {  	_ =	swait.ge [sflag:s29], $0x1  }
0xbb: {  	[sflag:s29] =	ssyncadd.s32 $0xFFFFFFFF  }
0xbc: {  	_ =	strace $0x90000048  }
0xbd: {  	_ =	sfence  }
0xbe: {  	s30 =	sld [smem:$0x0];
	_ =	sdelay $0x2  }
0xbf: {  	s31 =	sshll.u32 s1, $0xD;
	s1 =	sshrl.u32 s1, $0x2  }
0xc0: {  	s3 =	sand.u32 $0x4000, s31;
	s1 =	sadd.s32 s1, s30  }
0xc1: {  	s0 =	sor.u32 s3, s0;
	s1 =	sshll.u32 s1, $0x11  }
0xc2: {  	s0 =	sor.u32 s1, s0  }
0xc3: {  	s0 =	sadd.s32 $0x8F2B, s0  }
0xc4: {  	[sflag:s0] =	ssyncadd.remote.s32 $0x1  }
0xc5: {  	_ =	sfence.sel $0xFFFF  }
0xc6: {  	[dreg:$0x0] =	wrdreg $0xFFFFFFFF;
	(pc) =	sbr.abs _section_cstart, $3  }
0xc7: {  	[dreg:$0x1] =	wrdreg $0xFFFFFFFF  }
0xc8: {  	_ =	task.clear_ibuf [dreg:s7], $0x2FFFF;
	_ =	strace $0x9FFFFFFF  }
0xc9: {  	(tm) =	ssettm $0x7FFFFFFF  }
tec
execute0_lowered:
.L_overlay_start_1:
0x0: {  	(tag) =	ssettag $0x1  }
0x1: {  	s8 =	rddreg [dreg:$0x0]  }
0x2: {  	s6 =	rddreg [dreg:$0x1]  }
0x3: {  	s2 =	rddreg [dreg:$0x2]  }
0x4: {  	s0 =	rddreg [dreg:$0x3]  }
0x5: {  	s4 =	srdreg.scid;
	s1 =	stileid.u32  }
0x6: {  	s3 =	simm.s32 $0x0;
	s13 =	simm.s32 $0x80;
	s14 =	simm.s32 $0x100  }
0x7: {  	s15 =	simm.s32 $0x180;
	s16 =	simm.s32 $0x200;
	s17 =	simm.s32 $0x280  }
0x8: {  	s18 =	simm.s32 $0x300;
	s19 =	simm.s32 $0x380;
	s20 =	simm.s32 $0x20  }
0x9: {  	s21 =	simm.s32 $0x10;
	s22 =	simm.s32 $0x0;
	s26 =	smul.u32 $0x500, s1  }
0xa: {  	s7 =	sand.u32 $0x1, s4;
	[smem:$0x7FF] =	sst s3;
	s9 =	smul.u32 $0xA00, s1  }
0xb: {  	s4 =	sadd.s32 $0x1A00, s6;
	s12 =	smul.u32 $0x5000, s1;
	s31 =	sshll.u32 s1, $0x6  }
0xc: {  	s5 =	sshll.u32 s7, $0x7;
	s10 =	smul.u32 $0x50000, s7;
	s7 =	ssub.s32 $0x2, s7  }
0xd: {  	_ =	strace $0x80000047;
	s5 =	sor.u32 s5, s26;
	s28 =	sshrl.u32 s7, $0x1  }
0xe: {  	s9 =	sshrl.u32 s9, $0x2;
	s11 =	sshrl.u32 s5, $0x3;
	s5 =	sadd.s32 $0x1800, s6  }
0xf: {  	s10 =	sadd.s32 s12, s10;
	s7 =	ssub.s32 s7, s28;
	s29 =	sadd.s32 s9, s2  }
0x10: {  	s9 =	simm.s32 $0x400;
	s6 =	sadd.s32 s11, s6;
	s30 =	sshrl.u32 s10, $0x3  }
0x11: {  	s7 =	smax.u32 s7, $0x1;
	s10 =	simm.s32 $0x1;
	s11 =	sor.u32 $0x1C01, s31  }
0x12: {  	s12 =	sshrl.u32 s29, $0x3;
	s6 =	sadd.s32 $0x1C00, s6;
	s8 =	sadd.s32 s30, s8  }
.LBB2_1:
0x13: {  	[tilespmem:s9], [sflag:$0x1] =	stream.linear.gather [hbm4b:s4+s3], $0x80, $0x38;
	[tilespmem:$0x700] =	vst v63  }
0x14: {  	_ =	swait.ge [sflag:s10], $0x80  }
0x15: {  	[sflag:s10] =	ssyncset.done $0x0  }
0x16: {  	[sflag:s10] =	ssyncadd.s32 $0xFFFFFF80  }
0x17: {  	[spmem:s12], [sflag:s11] =	dma.local [hbm:s5], $0x50  }
0x18: {  	_ =	swait.ge [sflag:s10], $0x50  }
0x19: {  	[sflag:s10] =	ssyncset.done $0x0  }
0x1a: {  	[sflag:s10] =	ssyncadd.s32 $0xFFFFFFB0  }
0x1b: {  	s23 =	sadd.s32 $0x0, s8;
	[bflag:$0x0] =	sbarrier.arrive $0xFFFF  }
0x1c: {  	[tilespmem:s3], [sflag:$0x1] =	stream.linear.gather [hbm4b:s23+s3], $0x400, $0x38;
	[tilespmem:$0x700] =	vst v63  }
0x1d: {  	_ =	swait.ge [sflag:s10], $0x400  }
0x1e: {  	[sflag:s10] =	ssyncset.done $0x0  }
0x1f: {  	[sflag:s10] =	ssyncadd.s32 $0xFFFFFC00  }
0x20: {  	[spmem:s2] =	stream.indirect.scatter.add.f32 [tilespmem:s9], [sflag:$0x1], $0x1, s3, s13, $0xb8;
	[tilespmem:$0x700] =	vst v63  }
0x21: {  	_ =	swait.ge [sflag:s10], $0x80  }
0x22: {  	[sflag:s10] =	ssyncset.done $0x0  }
0x23: {  	[sflag:s10] =	ssyncadd.s32 $0xFFFFFF80  }
0x24: {  	[spmem:s2] =	stream.indirect.scatter.add.f32 [tilespmem:s9], [sflag:$0x1], $0x1, s13, s13, $0xb8;
	[tilespmem:$0x700] =	vst v63  }
0x25: {  	_ =	swait.ge [sflag:s10], $0x80  }
0x26: {  	[sflag:s10] =	ssyncset.done $0x0  }
0x27: {  	[sflag:s10] =	ssyncadd.s32 $0xFFFFFF80  }
0x28: {  	[spmem:s2] =	stream.indirect.scatter.add.f32 [tilespmem:s9], [sflag:$0x1], $0x1, s14, s13, $0xb8;
	[tilespmem:$0x700] =	vst v63  }
0x29: {  	_ =	swait.ge [sflag:s10], $0x80  }
0x2a: {  	[sflag:s10] =	ssyncset.done $0x0  }
0x2b: {  	[sflag:s10] =	ssyncadd.s32 $0xFFFFFF80  }
0x2c: {  	[spmem:s2] =	stream.indirect.scatter.add.f32 [tilespmem:s9], [sflag:$0x1], $0x1, s15, s13, $0xb8;
	[tilespmem:$0x700] =	vst v63  }
0x2d: {  	_ =	swait.ge [sflag:s10], $0x80  }
0x2e: {  	[sflag:s10] =	ssyncset.done $0x0  }
0x2f: {  	[sflag:s10] =	ssyncadd.s32 $0xFFFFFF80  }
0x30: {  	[spmem:s2] =	stream.indirect.scatter.add.f32 [tilespmem:s9], [sflag:$0x1], $0x1, s16, s13, $0xb8;
	[tilespmem:$0x700] =	vst v63  }
0x31: {  	_ =	swait.ge [sflag:s10], $0x80  }
0x32: {  	[sflag:s10] =	ssyncset.done $0x0  }
0x33: {  	[sflag:s10] =	ssyncadd.s32 $0xFFFFFF80  }
0x34: {  	[spmem:s2] =	stream.indirect.scatter.add.f32 [tilespmem:s9], [sflag:$0x1], $0x1, s17, s13, $0xb8;
	[tilespmem:$0x700] =	vst v63  }
0x35: {  	_ =	swait.ge [sflag:s10], $0x80  }
0x36: {  	[sflag:s10] =	ssyncset.done $0x0  }
0x37: {  	[sflag:s10] =	ssyncadd.s32 $0xFFFFFF80  }
0x38: {  	[spmem:s2] =	stream.indirect.scatter.add.f32 [tilespmem:s9], [sflag:$0x1], $0x1, s18, s13, $0xb8;
	[tilespmem:$0x700] =	vst v63  }
0x39: {  	_ =	swait.ge [sflag:s10], $0x80  }
0x3a: {  	[sflag:s10] =	ssyncset.done $0x0  }
0x3b: {  	[sflag:s10] =	ssyncadd.s32 $0xFFFFFF80  }
0x3c: {  	[spmem:s2] =	stream.indirect.scatter.add.f32 [tilespmem:s9], [sflag:$0x1], $0x1, s19, s13, $0xb8;
	[tilespmem:$0x700] =	vst v63  }
0x3d: {  	_ =	swait.ge [sflag:s10], $0x80  }
0x3e: {  	s25 =	simm.s32 $0x100;
	s23 =	simm.s32 $0x80;
	[sflag:s10] =	ssyncset.done $0x0  }
.LBB2_2:
0x3f: {  	s26 =	sadd.s32 s23, s8  }
0x40: {  	[sflag:s10] =	ssyncadd.s32 $0xFFFFFF80;
	s23 =	smov.u32 s25;
	s24 =	sadd.s32 $0x80, s25  }
0x41: {  	[tilespmem:s3], [sflag:$0x1] =	stream.linear.gather [hbm4b:s26+s3], $0x400, $0x38;
	[tilespmem:$0x700] =	vst v63  }
0x42: {  	p0 =	sne.s32 s25, $0x980;
	_ =	swait.ge [sflag:s10], $0x400  }
0x43: {  	[sflag:s10] =	ssyncset.done $0x0  }
0x44: {  	[sflag:s10] =	ssyncadd.s32 $0xFFFFFC00  }
0x45: {  	[spmem:s2] =	stream.indirect.scatter.add.f32 [tilespmem:s9], [sflag:$0x1], $0x1, s3, s13, $0xb8;
	[tilespmem:$0x700] =	vst v63  }
0x46: {  	_ =	swait.ge [sflag:s10], $0x80  }
0x47: {  	[sflag:s10] =	ssyncset.done $0x0  }
0x48: {  	[sflag:s10] =	ssyncadd.s32 $0xFFFFFF80  }
0x49: {  	[spmem:s2] =	stream.indirect.scatter.add.f32 [tilespmem:s9], [sflag:$0x1], $0x1, s13, s13, $0xb8;
	[tilespmem:$0x700] =	vst v63  }
0x4a: {  	_ =	swait.ge [sflag:s10], $0x80  }
0x4b: {  	[sflag:s10] =	ssyncset.done $0x0  }
0x4c: {  	[sflag:s10] =	ssyncadd.s32 $0xFFFFFF80  }
0x4d: {  	[spmem:s2] =	stream.indirect.scatter.add.f32 [tilespmem:s9], [sflag:$0x1], $0x1, s14, s13, $0xb8;
	[tilespmem:$0x700] =	vst v63  }
0x4e: {  	_ =	swait.ge [sflag:s10], $0x80  }
0x4f: {  	[sflag:s10] =	ssyncset.done $0x0  }
0x50: {  	[sflag:s10] =	ssyncadd.s32 $0xFFFFFF80  }
0x51: {  	[spmem:s2] =	stream.indirect.scatter.add.f32 [tilespmem:s9], [sflag:$0x1], $0x1, s15, s13, $0xb8;
	[tilespmem:$0x700] =	vst v63  }
0x52: {  	_ =	swait.ge [sflag:s10], $0x80  }
0x53: {  	[sflag:s10] =	ssyncset.done $0x0  }
0x54: {  	[sflag:s10] =	ssyncadd.s32 $0xFFFFFF80  }
0x55: {  	[spmem:s2] =	stream.indirect.scatter.add.f32 [tilespmem:s9], [sflag:$0x1], $0x1, s16, s13, $0xb8;
	[tilespmem:$0x700] =	vst v63  }
0x56: {  	_ =	swait.ge [sflag:s10], $0x80  }
0x57: {  	[sflag:s10] =	ssyncset.done $0x0  }
0x58: {  	[sflag:s10] =	ssyncadd.s32 $0xFFFFFF80  }
0x59: {  	[spmem:s2] =	stream.indirect.scatter.add.f32 [tilespmem:s9], [sflag:$0x1], $0x1, s17, s13, $0xb8;
	[tilespmem:$0x700] =	vst v63  }
0x5a: {  	_ =	swait.ge [sflag:s10], $0x80  }
0x5b: {  	[sflag:s10] =	ssyncset.done $0x0  }
0x5c: {  	[sflag:s10] =	ssyncadd.s32 $0xFFFFFF80  }
0x5d: {  	[spmem:s2] =	stream.indirect.scatter.add.f32 [tilespmem:s9], [sflag:$0x1], $0x1, s18, s13, $0xb8;
	[tilespmem:$0x700] =	vst v63  }
0x5e: {  	_ =	swait.ge [sflag:s10], $0x80  }
.Ltmp0:
0x5f: {  	[sflag:s10] =	ssyncset.done $0x0;
	(pc) =	sbr.rel @p0 .LBB2_2-.Ltmp0, $4  }
0x60: {  	[sflag:s10] =	ssyncadd.s32 $0xFFFFFF80  }
0x61: {  	[spmem:s2] =	stream.indirect.scatter.add.f32 [tilespmem:s9], [sflag:$0x1], $0x1, s19, s13, $0xb8;
	[tilespmem:$0x700] =	vst v63  }
0x62: {  	_ =	swait.ge [sflag:s10], $0x80  }
0x63: {  	s25 =	smov.u32 s24;
	[sflag:s10] =	ssyncset.done $0x0  }
0x64: {  	s23 =	sadd.s32 s23, s8;
	[sflag:s10] =	ssyncadd.s32 $0xFFFFFF80  }
0x65: {  	[tilespmem:s3], [sflag:$0x1] =	stream.linear.gather [hbm4b:s23+s3], $0x400, $0x38;
	[tilespmem:$0x700] =	vst v63  }
0x66: {  	_ =	swait.ge [sflag:s10], $0x400  }
0x67: {  	[sflag:s10] =	ssyncset.done $0x0  }
0x68: {  	[sflag:s10] =	ssyncadd.s32 $0xFFFFFC00  }
0x69: {  	[spmem:s2] =	stream.indirect.scatter.add.f32 [tilespmem:s9], [sflag:$0x1], $0x1, s3, s13, $0xb8;
	[tilespmem:$0x700] =	vst v63  }
0x6a: {  	_ =	swait.ge [sflag:s10], $0x80  }
0x6b: {  	[sflag:s10] =	ssyncset.done $0x0  }
0x6c: {  	[sflag:s10] =	ssyncadd.s32 $0xFFFFFF80  }
0x6d: {  	[spmem:s2] =	stream.indirect.scatter.add.f32 [tilespmem:s9], [sflag:$0x1], $0x1, s13, s13, $0xb8;
	[tilespmem:$0x700] =	vst v63  }
0x6e: {  	_ =	swait.ge [sflag:s10], $0x80  }
0x6f: {  	[sflag:s10] =	ssyncset.done $0x0  }
0x70: {  	[sflag:s10] =	ssyncadd.s32 $0xFFFFFF80  }
0x71: {  	[spmem:s2] =	stream.indirect.scatter.add.f32 [tilespmem:s9], [sflag:$0x1], $0x1, s14, s13, $0xb8;
	[tilespmem:$0x700] =	vst v63  }
0x72: {  	_ =	swait.ge [sflag:s10], $0x80  }
0x73: {  	[sflag:s10] =	ssyncset.done $0x0  }
0x74: {  	[sflag:s10] =	ssyncadd.s32 $0xFFFFFF80  }
0x75: {  	[spmem:s2] =	stream.indirect.scatter.add.f32 [tilespmem:s9], [sflag:$0x1], $0x1, s15, s13, $0xb8;
	[tilespmem:$0x700] =	vst v63  }
0x76: {  	_ =	swait.ge [sflag:s10], $0x80  }
0x77: {  	[sflag:s10] =	ssyncset.done $0x0  }
0x78: {  	[sflag:s10] =	ssyncadd.s32 $0xFFFFFF80  }
0x79: {  	[spmem:s2] =	stream.indirect.scatter.add.f32 [tilespmem:s9], [sflag:$0x1], $0x1, s16, s13, $0xb8;
	[tilespmem:$0x700] =	vst v63  }
0x7a: {  	_ =	swait.ge [sflag:s10], $0x80  }
0x7b: {  	[sflag:s10] =	ssyncset.done $0x0  }
0x7c: {  	[sflag:s10] =	ssyncadd.s32 $0xFFFFFF80  }
0x7d: {  	[spmem:s2] =	stream.indirect.scatter.add.f32 [tilespmem:s9], [sflag:$0x1], $0x1, s17, s13, $0xb8;
	[tilespmem:$0x700] =	vst v63  }
0x7e: {  	_ =	swait.ge [sflag:s10], $0x80  }
0x7f: {  	[sflag:s10] =	ssyncset.done $0x0  }
0x80: {  	[sflag:s10] =	ssyncadd.s32 $0xFFFFFF80  }
0x81: {  	[spmem:s2] =	stream.indirect.scatter.add.f32 [tilespmem:s9], [sflag:$0x1], $0x1, s18, s13, $0xb8;
	[tilespmem:$0x700] =	vst v63  }
0x82: {  	_ =	swait.ge [sflag:s10], $0x80  }
0x83: {  	[sflag:s10] =	ssyncset.done $0x0  }
0x84: {  	[sflag:s10] =	ssyncadd.s32 $0xFFFFFF80  }
0x85: {  	[spmem:s2] =	stream.indirect.scatter.add.f32 [tilespmem:s9], [sflag:$0x1], $0x1, s19, s13, $0xb8;
	[tilespmem:$0x700] =	vst v63  }
0x86: {  	_ =	swait.ge [sflag:s10], $0x80  }
0x87: {  	s22 =	sadd.s32 $0x1, s22;
	[sflag:s10] =	ssyncset.done $0x0  }
0x88: {  	p0 =	sne.s32 s22, s7;
	[sflag:s10] =	ssyncadd.s32 $0xFFFFFF80  }
.Ltmp1:
0x89: {  	[bflag:$0x0] =	sbarrier.arrive $0xFFFF;
	(pc) =	sbr.rel @p0 .LBB2_1-.Ltmp1, $4  }
0x8a: {  	[hbm:s6@s20], [sflag:s11] =	dma.strided [spmem:s12@s21], $0x50, s10, $0x10   }
0x8b: {  	_ =	swait.ge [sflag:s10], $0x50  }
0x8c: {  	[sflag:s10] =	ssyncset.done $0x0  }
0x8d: {  	[sflag:s10] =	ssyncadd.s32 $0xFFFFFFB0  }
0x8e: {  	_ =	sfence.sel $0x180000  }
0x8f: {  	[bflag:$0x0] =	sbarrier.arrive $0xFFFF  }
0x90: {  	p0 =	sne.s32 s1, $0x0;
	_ =	strace $0x90000047  }
0x91: {  	s0 =	sadd.s32 @!p0 $0x100000, s0;
	[bflag:$0x2] =	sbarrier.arrive $0xFFFF  }
0x92: {  	[sflag:s0] =	ssyncadd.tile.s32 @!p0 $0x1;
	_ =	shalt  }
.Lfunc_end2:
_tile_overlayer_lowered:
.L_overlay_start_2:
0x93: {  	(tag) =	ssettag $0x2  }
0x94: {  	s0 =	rddreg [dreg:$0x0];
	s2 =	stileid.u32  }
0x95: {  	s1 =	rddreg [dreg:$0x1];
	p0 =	sne.s32 s2, $0x0  }
0x96: {  	s3 =	rddreg [dreg:$0x2];
	[bflag:$0x3] =	sbarrier.arrive $0xFFFF;
	s2 =	simm.s32 @!p0 $0x1C01  }
0x97: {  	[timem:s3], [sflag:s2] =	dma.local @!p0 [hbm:s0], s1  }
0x98: {  	s0 =	simm.s32 @!p0 $0x1  }
0x99: {  	_ =	swait.ge @!p0 [sflag:s0], s1  }
0x9a: {  	s1 =	ssub.s32 @!p0 $0x0, s1;
	[sflag:s0] =	ssyncset.done @!p0 $0x0  }
0x9b: {  	[sflag:s0] =	ssyncadd.s32 @!p0 s1  }
0x9c: {  	[bflag:$0x3] =	sbarrier.arrive $0xFFFF  }
0x9d: {  	_ =	shalt  }

// kernel: kernel.9.cloned.1.call-start
scs
__scs_entry_jumppad:
0x0: {  	(pc) =	sbr.rel $0x88, $3  }
0x1: {  	(tag) =	ssettag $0x0;
	lr =	simm.s32 $0x1  }
0x2: {  	[smem:$0x3F9B] =	sst lr;
	_ =	strace $0xD0000000  }
0x3: {  	_ = 	snop  }
0x4: {  	_ = 	snop  }
0x5: {  	_ = 	snop  }
0x6: {  	_ = 	snop  }
0x7: {  	_ = 	snop  }
__scs_overlays_trampoline_lowered:
0x8: {  	[smem:$0x3FAA] =	sst s0  }
0x9: {  	[smem:$0x3FAB] =	sst s1  }
0xa: {  	[smem:$0x3FAC] =	sst s2  }
0xb: {  	[smem:$0x3FAD] =	sst s3  }
0xc: {  	[smem:$0x3FAE] =	sst s4  }
0xd: {  	[smem:$0x3FAF] =	sst s5  }
0xe: {  	[smem:$0x3FB0] =	sst s6  }
0xf: {  	[smem:$0x3FB1] =	sst s7  }
0x10: {  	[smem:$0x3FB2] =	sst s8  }
0x11: {  	[smem:$0x3FB3] =	sst s9;
	s0 =	simm.s32 @!p0 $0x0  }
0x12: {  	s1 =	sld [smem:$0x3F99];
	s0 =	simm.s32 @p0 $0x1  }
0x13: {  	[smem:$0x3FB4] =	sst s0;
	s0 =	simm.s32 @!p1 $0x0  }
0x14: {  	s2 =	sld [smem:$0x3F98];
	s0 =	simm.s32 @p1 $0x1  }
0x15: {  	[smem:$0x3FB5] =	sst s0;
	s0 =	simm.s32 @!p2 $0x0  }
0x16: {  	s3 =	sld [smem:$0x3FDB];
	s0 =	simm.s32 @p2 $0x1  }
0x17: {  	s4 =	simm.s32 $0x1BF5;
	[smem:$0x3FB7] =	sst s0  }
0x18: {  	s0 =	sld [smem:$0x3F9A];
	_ =	swait.ge [sflag:s4], $0x0  }
0x19: {  	s7 =	sld [smem:$0x3F9B]  }
0x1a: {  	s8 =	sadd.s32 $0xFFFFE003, lr  }
0x1b: {  	s9 =	sadd.s32 $0xFFFFFEF7, lr;
	s5 =	simm.s32 $0xFFFFFFFF;
	p2 =	slt.u32 s8, $0xFFFFF086  }
0x1c: {  	p1 =	slt.u32 s9, $0xF7A;
	s5 =	simm.s32 @!p2 $0x0  }
0x1d: {  	s5 =	simm.s32 @p1 $0x1;
	p0 =	seq.s32 s7, s2  }
0x1e: {  	s7 =	smul.u32 @!p0 $0xF7A, s2;
	p2 =	seq.s32 @!p0 s5, $0x0  }
0x1f: {  	s9 =	smul.u32 $0xF7A, s1;
	s8 =	simm.s32 @!p0 $0x1BF5;
	p2 =	por !p2, p0  }
0x20: {  	[sflag:s8] =	ssyncset.s32 @!p0 $0xFFFFF086;
	s6 =	sadd.s32 @!p0 s3, s7;
	s7 =	simm.s32 @!p0 $0x108  }
0x21: {  	s3 =	sadd.s32 s3, s9;
	s6 =	sadd.s32 @!p0 $0x88, s6;
	s7 =	simm.s32 @p2 $0x1082  }
0x22: {  	[simem:s7], [sflag:s8] =	dma.local @!p0 [hbm:s6], $0xF7A  }
0x23: {  	s9 =	sor.u32 $0xD0000000, s2;
	s6 =	simm.s32 $0x108;
	_ =	swait.ge @!p0 [sflag:s8], $0x0  }
0x24: {  	s3 =	sadd.s32 $0x88, s3;
	s6 =	simm.s32 @!p1 $0x1082;
	[sflag:s4] =	ssyncset.s32 $0xFFFFF086  }
0x25: {  	[simem:s6], [sflag:s4] =	dma.local [hbm:s3], $0xF7A  }
0x26: {  	[smem:$0x3F9B] =	sst s1;
	(tag) =	ssettag s2;
	_ =	strace s9  }
0x27: {  	s1 =	sld [smem:$0x3FAB]  }
0x28: {  	s2 =	sld [smem:$0x3FAC]  }
0x29: {  	s4 =	sld [smem:$0x3FAE]  }
0x2a: {  	p0 =	seq.s32 s5, $0x0;
	s5 =	sld [smem:$0x3FAF]  }
0x2b: {  	s6 =	sld [smem:$0x3FB0]  }
0x2c: {  	s7 =	sld [smem:$0x3FB1]  }
0x2d: {  	s3 =	simm.s32 $0x108;
	s8 =	sld [smem:$0x3FB2]  }
0x2e: {  	s3 =	simm.s32 @!p0 $0x1082;
	s9 =	sld [smem:$0x3FB3]  }
0x2f: {  	lr =	sadd.s32 s0, s3;
	s0 =	sld [smem:$0x3FAA]  }
0x30: {  	s3 =	sld [smem:$0x3FAD]  }
0x31: {  	[smem:$0x3FB6] =	sst s10  }
0x32: {  	s10 =	sld [smem:$0x3FB4];
	_ =	sdelay $0x3  }
0x33: {  	p0 =	seq.s32 s10, $0x1;
	s10 =	sld [smem:$0x3FB6];
	_ =	sdelay $0x3  }
0x34: {  	[smem:$0x3FB6] =	sst s10  }
0x35: {  	s10 =	sld [smem:$0x3FB5];
	_ =	sdelay $0x3  }
0x36: {  	p1 =	seq.s32 s10, $0x1;
	s10 =	sld [smem:$0x3FB6];
	_ =	sdelay $0x3  }
0x37: {  	[smem:$0x3FB6] =	sst s10  }
0x38: {  	s10 =	sld [smem:$0x3FB7]  }
0x39: {  	_ = 	snop;
	(pc) =	sbr.ind lr, $3  }
0x3a: {  	_ = 	snop  }
0x3b: {  	_ = 	snop  }
0x3c: {  	p2 =	seq.s32 s10, $0x1;
	s10 =	sld [smem:$0x3FB6]  }
0x3d: {  	_ =	shalt  }
0x3e: {  	_ =	shalt  }
0x3f: {  	_ =	shalt  }
0x40: {  	_ =	shalt  }
0x41: {  	_ =	shalt  }
0x42: {  	_ =	shalt  }
0x43: {  	_ =	shalt  }
0x44: {  	_ =	shalt  }
0x45: {  	_ =	shalt  }
0x46: {  	_ =	shalt  }
0x47: {  	_ =	shalt  }
0x48: {  	_ =	shalt  }
0x49: {  	_ =	shalt  }
0x4a: {  	_ =	shalt  }
0x4b: {  	_ =	shalt  }
0x4c: {  	_ =	shalt  }
0x4d: {  	_ =	shalt  }
0x4e: {  	_ =	shalt  }
0x4f: {  	_ =	shalt  }
0x50: {  	_ =	shalt  }
0x51: {  	_ =	shalt  }
0x52: {  	_ =	shalt  }
0x53: {  	_ =	shalt  }
0x54: {  	_ =	shalt  }
0x55: {  	_ =	shalt  }
0x56: {  	_ =	shalt  }
0x57: {  	_ =	shalt  }
0x58: {  	_ =	shalt  }
0x59: {  	_ =	shalt  }
0x5a: {  	_ =	shalt  }
0x5b: {  	_ =	shalt  }
0x5c: {  	_ =	shalt  }
0x5d: {  	_ =	shalt  }
0x5e: {  	_ =	shalt  }
0x5f: {  	_ =	shalt  }
0x60: {  	_ =	shalt  }
0x61: {  	_ =	shalt  }
0x62: {  	_ =	shalt  }
0x63: {  	_ =	shalt  }
0x64: {  	_ =	shalt  }
0x65: {  	_ =	shalt  }
0x66: {  	_ =	shalt  }
0x67: {  	_ =	shalt  }
0x68: {  	_ =	shalt  }
0x69: {  	_ =	shalt  }
0x6a: {  	_ =	shalt  }
0x6b: {  	_ =	shalt  }
0x6c: {  	_ =	shalt  }
0x6d: {  	_ =	shalt  }
0x6e: {  	_ =	shalt  }
0x6f: {  	_ =	shalt  }
0x70: {  	_ =	shalt  }
0x71: {  	_ =	shalt  }
0x72: {  	_ =	shalt  }
0x73: {  	_ =	shalt  }
0x74: {  	_ =	shalt  }
0x75: {  	_ =	shalt  }
0x76: {  	_ =	shalt  }
0x77: {  	_ =	shalt  }
0x78: {  	_ =	shalt  }
0x79: {  	_ =	shalt  }
0x7a: {  	_ =	shalt  }
0x7b: {  	_ =	shalt  }
0x7c: {  	_ =	shalt  }
0x7d: {  	_ =	shalt  }
0x7e: {  	_ =	shalt  }
0x7f: {  	_ =	shalt  }
0x80: {  	_ =	shalt  }
0x81: {  	_ =	shalt  }
0x82: {  	_ =	shalt  }
0x83: {  	_ =	shalt  }
0x84: {  	_ =	shalt  }
0x85: {  	_ =	shalt  }
0x86: {  	_ =	shalt  }
0x87: {  	_ =	shalt  }
.Lfunc_end0:
.L_simem_size_0:
called_computation.1_lowered:
.L_overlay_start_0:
0x88: {  	s2 =	sld [smem:$0x3FD9]  }
0x89: {  	s3 =	sld [smem:$0x3FFE];
	_ =	sdelay $0x1  }
0x8a: {  	s1 =	srdreg.scid  }
0x8b: {  	s0 =	sand.u32 $0x1, s1  }
0x8c: {  	s14 =	sshll.u32 s0, $0xA;
	s2 =	sadd.s32 s3, s2  }
0x8d: {  	s2 =	sadd.s32 s2, s14  }
0x8e: {  	[smem:$0x3FC2] =	sst s2  }
0x8f: {  	_ = 	snop  }
0x90: {  	s2 =	sld [smem:$0x3FD0];
	_ =	sdelay $0x2  }
0x91: {  	s15 =	simm.s32 $0xA;
	s4 =	simm.s32 $0x10  }
0x92: {  	[smem:s4], [sflag:s15] =	dma.local [hbm:s2], $0x1  }
0x93: {  	_ =	swait.eq [sflag:s15], $0x1  }
0x94: {  	[sflag:s15] =	ssyncset.done $0x0  }
0x95: {  	s16 =	sld [smem:$0x10];
	[sflag:s15] =	ssyncadd.s32 $0xFFFFFFFF  }
0x96: {  	s17 =	sld [smem:$0x11];
	(tm) =	ssettm $0x1  }
0x97: {  	s18 =	sld [smem:$0x3FFB];
	_ =	sdelay $0x3  }
0x98: {  	_ =	strace s18  }
0x99: {  	s4 =	sld [smem:$0x3FFC];
	_ =	sdelay $0x3  }
0x9a: {  	_ =	strace s4  }
0x9b: {  	s4 =	sld [smem:$0x3FFD];
	_ =	sdelay $0x3  }
0x9c: {  	_ =	strace s4  }
0x9d: {  	_ =	strace $0x8FFFFFFF  }
0x9e: {  	s19 =	sld [smem:$0x3FDB];
	_ =	sdelay $0x1  }
0x9f: {  	s5 =	simm.s32 $_scs_section_size  }
0xa0: {  	s6 =	simm.s32 $_size__tile_overlayer_lowered;
	s7 =	simm.s32 $_tile_overlayer_lowered  }
0xa1: {  	s22 =	simm.s32 $0x1BFF;
	s21 =	sshll.u32 s7, $0x1;
	s4 =	sadd.s32 s5, s19  }
0xa2: {  	s8 =	simm.s32 $0x0;
	s20 =	sshll.u32 s6, $0x1;
	s6 =	sadd.s32 s21, s4  }
0xa3: {  	[timem:s8], [sflag:s22] =	dma.local [hbm:s6], s20  }
0xa4: {  	_ =	swait.ge [sflag:s22], s20  }
0xa5: {  	s5 =	ssub.s32 $0x0, s20;
	[sflag:s22] =	ssyncset.done $0x0  }
0xa6: {  	[sflag:s22] =	ssyncadd.s32 s5;
	_ =	sdelay $0x1  }
0xa7: {  	s23 =	simm.s32 $0x1B8B  }
0xa8: {  	_ =	swait.ge [sflag:s23], $0x1  }
0xa9: {  	[sflag:s23] =	ssyncset.done $0x0  }
0xaa: {  	s25 =	simm.s32 $0x1B8E;
	s24 =	sld [smem:$0x3FFE];
	[sflag:s23] =	ssyncadd.s32 $0xFFFFFFFF  }
0xab: {  	s26 =	simm.s32 $execute0_lowered;
	[smem:$0x3FD2] =	sst s25  }
0xac: {  	s6 =	sshll.u32 s26, $0x1;
	_ =	strace $0x80000049;
	[dreg:$0x1] =	wrdreg $0xFFFFFFFF  }
0xad: {  	s28 =	simm.s32 $_size_execute0_lowered;
	s4 =	sadd.s32 s4, s6;
	[dreg:$0x0] =	wrdreg $0x0  }
0xae: {  	s6 =	sshll.u32 s28, $0x1;
	[dreg:$0x2] =	wrdreg s4  }
0xaf: {  	[dreg:$0x3] =	wrdreg s6  }
0xb0: {  	[dreg:$0x4] =	wrdreg $0xC0  }
0xb1: {  	_ =	task [dreg:s8], $0x5FFFF  }
0xb2: {  	[dreg:$0x1] =	wrdreg $0xFFFFFFFF  }
0xb3: {  	[dreg:$0x0] =	wrdreg $0x60  }
0xb4: {  	[dreg:$0x2] =	wrdreg s24  }
0xb5: {  	[dreg:$0x3] =	wrdreg s17  }
0xb6: {  	[dreg:$0x4] =	wrdreg s16  }
0xb7: {  	[dreg:$0x5] =	wrdreg $0x90000  }
0xb8: {  	[dreg:$0x6] =	wrdreg $0x9  }
0xb9: {  	_ =	task.clear_ibuf [dreg:s8], $0x7FFFF;
	_ =	strace $0x90000049  }
0xba: {  	s29 =	simm.s32 $0x9;
	_ =	strace $0x8000004B  }
0xbb: {  	_ =	swait.ge [sflag:s29], $0x1  }
0xbc: {  	[sflag:s29] =	ssyncadd.s32 $0xFFFFFFFF  }
0xbd: {  	_ =	strace $0x9000004B  }
0xbe: {  	_ =	sfence  }
0xbf: {  	s30 =	sld [smem:$0x0];
	_ =	sdelay $0x2  }
0xc0: {  	s31 =	sshll.u32 s1, $0xD;
	s1 =	sshrl.u32 s1, $0x2  }
0xc1: {  	s3 =	sand.u32 $0x4000, s31;
	s1 =	sadd.s32 s1, s30  }
0xc2: {  	s0 =	sor.u32 s3, s0;
	s1 =	sshll.u32 s1, $0x11  }
0xc3: {  	s0 =	sor.u32 s1, s0  }
0xc4: {  	s0 =	sadd.s32 $0x8F2B, s0  }
0xc5: {  	[sflag:s0] =	ssyncadd.remote.s32 $0x1  }
0xc6: {  	_ =	sfence.sel $0xFFFF  }
0xc7: {  	[dreg:$0x0] =	wrdreg $0xFFFFFFFF;
	(pc) =	sbr.abs _section_cstart, $3  }
0xc8: {  	[dreg:$0x1] =	wrdreg $0xFFFFFFFF  }
0xc9: {  	_ =	task.clear_ibuf [dreg:s8], $0x2FFFF;
	_ =	strace $0x9FFFFFFF  }
0xca: {  	(tm) =	ssettm $0x7FFFFFFF  }
0xcb: {  	_ =	shalt  }
tec
execute0_lowered:
.L_overlay_start_1:
0x0: {  	(tag) =	ssettag $0x1  }
0x1: {  	s0 =	rddreg [dreg:$0x0]  }
0x2: {  	s1 =	rddreg [dreg:$0x1];
	s2 =	srdreg.scid  }
0x3: {  	s16 =	stileid.u32;
	s13 =	rddreg [dreg:$0x2];
	s3 =	simm.s32 $0x0  }
0x4: {  	s15 =	simm.s32 $0x4;
	s17 =	simm.s32 $0x400;
	s18 =	simm.s32 $0xC00  }
0x5: {  	s19 =	simm.s32 $0x80;
	s20 =	simm.s32 $0x1000;
	s22 =	simm.s32 $0x1  }
0x6: {  	s23 =	simm.s32 $0x5000;
	s24 =	simm.s32 $0x2;
	s7 =	smul.u32 $0x2800, s16  }
0x7: {  	s6 =	sand.u32 $0x1, s2;
	s2 =	rddreg [dreg:$0x3];
	s10 =	smul.u32 $0x5000, s16  }
0x8: {  	s25 =	simm.s32 $0x0;
	[smem:$0x7FF] =	sst s3;
	s11 =	smul.u32 $0x50000, s16  }
0x9: {  	s4 =	sadd.s32 $0x1800, s0;
	s5 =	sadd.s32 $0xA1800, s0;
	s8 =	smul.u32 $0x28000, s6  }
0xa: {  	s31 =	sshll.u32 s16, $0x6;
	s9 =	smul.u32 $0x50000, s6;
	s6 =	ssub.s32 $0x2, s6  }
0xb: {  	_ =	strace $0x8000004A;
	s21 =	sor.u32 $0x1C04, s31;
	s26 =	sshrl.u32 s6, $0x1  }
0xc: {  	s11 =	sshrl.u32 s11, $0x2;
	s7 =	sadd.s32 s7, s8;
	s10 =	sadd.s32 s10, s9  }
0xd: {  	s12 =	ssub.s32 s6, s26;
	s0 =	sadd.s32 s7, s0;
	s28 =	sshrl.u32 s10, $0x3  }
0xe: {  	s14 =	sor.u32 $0x800, s10;
	s10 =	sadd.s32 s11, s2;
	s12 =	smax.u32 s12, $0x1  }
0xf: {  	s29 =	sor.u32 $0x80, s28;
	s6 =	sadd.s32 s1, s28;
	s7 =	sadd.s32 s13, s28  }
0x10: {  	s11 =	sadd.s32 $0xA4000, s0;
	s30 =	sshrl.u32 s14, $0x3;
	s8 =	sadd.s32 s1, s29  }
0x11: {  	s9 =	sadd.s32 s13, s29;
	s13 =	sadd.s32 s30, s13;
	s14 =	sadd.s32 s30, s1  }
.LBB2_1:
0x12: {  	[tilespmem:s3], [sflag:$0x4] =	stream.linear.gather [hbm4b:s6+s3], $0x400, $0x38;
	[tilespmem:$0x1D000] =	vst v63  }
0x13: {  	_ =	swait.ge [sflag:s15], $0x400  }
0x14: {  	[sflag:s15] =	ssyncset.done $0x0  }
0x15: {  	s0 =	simm.s32 $0x800;
	[sflag:s15] =	ssyncadd.s32 $0xFFFFFC00  }
0x16: {  	[tilespmem:s0], [sflag:$0x4] =	stream.linear.gather [hbm4b:s7+s3], $0x400, $0x38;
	[tilespmem:$0x1D000] =	vst v63  }
0x17: {  	_ =	swait.ge [sflag:s15], $0x400  }
0x18: {  	[sflag:s15] =	ssyncset.done $0x0  }
0x19: {  	[sflag:s15] =	ssyncadd.s32 $0xFFFFFC00  }
0x1a: {  	[tilespmem:s17], [sflag:$0x3] =	stream.linear.gather [hbm4b:s8+s3], $0x400, $0x38;
	[tilespmem:$0x1D000] =	vst v63  }
0x1b: {  	_ = 	snop  }
0x1c: {  	[tilespmem:s18], [sflag:$0x3] =	stream.linear.gather [hbm4b:s9+s3], $0x400, $0x38;
	[tilespmem:$0x1D000] =	vst v63  }
0x1d: {  	s26 =	sshrl.u32 s10, $0x3  }
0x1e: {  	[tilespmem:s20], [sflag:$0x1] =	stream.indirect.gather [hbm4b:s4+s19], $0x80, s3, s19, $0xb8;
	[tilespmem:$0x1D000] =	vst v63  }
0x1f: {  	[spmem:s26], [sflag:s21] =	dma.local [hbm:s5], $0x2800  }
0x20: {  	_ =	swait.ge [sflag:s15], $0x2800  }
0x21: {  	[sflag:s15] =	ssyncset.done $0x0  }
0x22: {  	s28 =	simm.s32 $0x0;
	s29 =	smov.u32 s14;
	[sflag:s15] =	ssyncadd.s32 $0xFFFFD800  }
0x23: {  	s30 =	smov.u32 s13;
	s31 =	simm.s32 $0x0;
	[bflag:$0x0] =	sbarrier.arrive $0xFFFF  }
.LBB2_2:
0x24: {  	_ =	swait.ge [sflag:s22], $0x4000  }
0x25: {  	s1 =	sand.u32 $0x400, s28;
	[sflag:s22] =	ssyncset.done $0x0  }
0x26: {  	s0 =	sor.u32 $0x80, s1;
	[sflag:s22] =	ssyncadd.s32 $0xFFFFC000  }
0x27: {  	[tilespmem:s23], [sflag:$0x2] =	stream.indirect.gather [hbm4b:s4+s19], $0x80, s0, s19, $0xb8;
	[tilespmem:$0x1D000] =	vst v63  }
0x28: {  	s0 =	sor.u32 $0x800, s1  }
0x29: {  	[spmem:s2] =	stream.indirect.scatter.add.f32 [tilespmem:s20], [sflag:$0x4], $0x80, s0, s19, $0xb8;
	[tilespmem:$0x1D000] =	vst v63  }
0x2a: {  	_ =	swait.ge [sflag:s15], $0x4000  }
0x2b: {  	[sflag:s15] =	ssyncset.done $0x0  }
0x2c: {  	[sflag:s15] =	ssyncadd.s32 $0xFFFFC000  }
0x2d: {  	_ =	swait.ge [sflag:s24], $0x4000  }
0x2e: {  	[sflag:s24] =	ssyncset.done $0x0  }
0x2f: {  	s16 =	sor.u32 $0x100, s1;
	[sflag:s24] =	ssyncadd.s32 $0xFFFFC000  }
0x30: {  	[tilespmem:s20], [sflag:$0x1] =	stream.indirect.gather [hbm4b:s4+s19], $0x80, s16, s19, $0xb8;
	[tilespmem:$0x1D000] =	vst v63  }
0x31: {  	s16 =	sor.u32 $0x880, s1  }
0x32: {  	[spmem:s2] =	stream.indirect.scatter.add.f32 [tilespmem:s23], [sflag:$0x4], $0x80, s16, s19, $0xb8;
	[tilespmem:$0x1D000] =	vst v63  }
0x33: {  	_ =	swait.ge [sflag:s15], $0x4000  }
0x34: {  	[sflag:s15] =	ssyncset.done $0x0  }
0x35: {  	[sflag:s15] =	ssyncadd.s32 $0xFFFFC000  }
0x36: {  	_ =	swait.ge [sflag:s22], $0x4000  }
0x37: {  	[sflag:s22] =	ssyncset.done $0x0  }
0x38: {  	s16 =	sor.u32 $0x180, s1;
	[sflag:s22] =	ssyncadd.s32 $0xFFFFC000  }
0x39: {  	[tilespmem:s23], [sflag:$0x2] =	stream.indirect.gather [hbm4b:s4+s19], $0x80, s16, s19, $0xb8;
	[tilespmem:$0x1D000] =	vst v63  }
0x3a: {  	s16 =	sor.u32 $0x900, s1  }
0x3b: {  	[spmem:s2] =	stream.indirect.scatter.add.f32 [tilespmem:s20], [sflag:$0x4], $0x80, s16, s19, $0xb8;
	[tilespmem:$0x1D000] =	vst v63  }
0x3c: {  	_ =	swait.ge [sflag:s15], $0x4000  }
0x3d: {  	[sflag:s15] =	ssyncset.done $0x0  }
0x3e: {  	[sflag:s15] =	ssyncadd.s32 $0xFFFFC000  }
0x3f: {  	_ =	swait.ge [sflag:s24], $0x4000  }
0x40: {  	[sflag:s24] =	ssyncset.done $0x0  }
0x41: {  	s16 =	sor.u32 $0x200, s1;
	[sflag:s24] =	ssyncadd.s32 $0xFFFFC000  }
0x42: {  	[tilespmem:s20], [sflag:$0x1] =	stream.indirect.gather [hbm4b:s4+s19], $0x80, s16, s19, $0xb8;
	[tilespmem:$0x1D000] =	vst v63  }
0x43: {  	s16 =	sor.u32 $0x980, s1  }
0x44: {  	[spmem:s2] =	stream.indirect.scatter.add.f32 [tilespmem:s23], [sflag:$0x4], $0x80, s16, s19, $0xb8;
	[tilespmem:$0x1D000] =	vst v63  }
0x45: {  	_ =	swait.ge [sflag:s15], $0x4000  }
0x46: {  	[sflag:s15] =	ssyncset.done $0x0  }
0x47: {  	[sflag:s15] =	ssyncadd.s32 $0xFFFFC000  }
0x48: {  	_ =	swait.ge [sflag:s22], $0x4000  }
0x49: {  	[sflag:s22] =	ssyncset.done $0x0  }
0x4a: {  	s16 =	sor.u32 $0x280, s1;
	[sflag:s22] =	ssyncadd.s32 $0xFFFFC000  }
0x4b: {  	[tilespmem:s23], [sflag:$0x2] =	stream.indirect.gather [hbm4b:s4+s19], $0x80, s16, s19, $0xb8;
	[tilespmem:$0x1D000] =	vst v63  }
0x4c: {  	s16 =	sor.u32 $0xA00, s1  }
0x4d: {  	[spmem:s2] =	stream.indirect.scatter.add.f32 [tilespmem:s20], [sflag:$0x4], $0x80, s16, s19, $0xb8;
	[tilespmem:$0x1D000] =	vst v63  }
0x4e: {  	_ =	swait.ge [sflag:s15], $0x4000  }
0x4f: {  	[sflag:s15] =	ssyncset.done $0x0  }
0x50: {  	[sflag:s15] =	ssyncadd.s32 $0xFFFFC000  }
0x51: {  	_ =	swait.ge [sflag:s24], $0x4000  }
0x52: {  	[sflag:s24] =	ssyncset.done $0x0  }
0x53: {  	s16 =	sor.u32 $0x300, s1;
	[sflag:s24] =	ssyncadd.s32 $0xFFFFC000  }
0x54: {  	[tilespmem:s20], [sflag:$0x1] =	stream.indirect.gather [hbm4b:s4+s19], $0x80, s16, s19, $0xb8;
	[tilespmem:$0x1D000] =	vst v63  }
0x55: {  	s16 =	sor.u32 $0xA80, s1  }
0x56: {  	[spmem:s2] =	stream.indirect.scatter.add.f32 [tilespmem:s23], [sflag:$0x4], $0x80, s16, s19, $0xb8;
	[tilespmem:$0x1D000] =	vst v63  }
0x57: {  	_ =	swait.ge [sflag:s15], $0x4000  }
0x58: {  	[sflag:s15] =	ssyncset.done $0x0  }
0x59: {  	[sflag:s15] =	ssyncadd.s32 $0xFFFFC000  }
0x5a: {  	_ =	swait.ge [sflag:s22], $0x4000  }
0x5b: {  	[sflag:s22] =	ssyncset.done $0x0  }
0x5c: {  	s16 =	sor.u32 $0x380, s1;
	[sflag:s22] =	ssyncadd.s32 $0xFFFFC000  }
0x5d: {  	[tilespmem:s23], [sflag:$0x2] =	stream.indirect.gather [hbm4b:s4+s19], $0x80, s16, s19, $0xb8;
	[tilespmem:$0x1D000] =	vst v63  }
0x5e: {  	s16 =	sor.u32 $0xB00, s1  }
0x5f: {  	[spmem:s2] =	stream.indirect.scatter.add.f32 [tilespmem:s20], [sflag:$0x4], $0x80, s16, s19, $0xb8;
	[tilespmem:$0x1D000] =	vst v63  }
0x60: {  	_ =	swait.ge [sflag:s15], $0x4000  }
0x61: {  	[sflag:s15] =	ssyncset.done $0x0  }
0x62: {  	[sflag:s15] =	ssyncadd.s32 $0xFFFFC000  }
0x63: {  	_ =	swait.ge [sflag:s24], $0x4000  }
0x64: {  	[sflag:s24] =	ssyncset.done $0x0  }
0x65: {  	s16 =	sor.u32 $0xB80, s1;
	[sflag:s24] =	ssyncadd.s32 $0xFFFFC000  }
0x66: {  	[spmem:s2] =	stream.indirect.scatter.add.f32 [tilespmem:s23], [sflag:$0x4], $0x80, s16, s19, $0xb8;
	[tilespmem:$0x1D000] =	vst v63  }
0x67: {  	_ =	swait.ge [sflag:s15], $0x4000  }
0x68: {  	p0 =	seq.s32 s31, $0x13;
	[sflag:s15] =	ssyncset.done $0x0  }
0x69: {  	s16 =	simm.s32 @!p0 $0x3;
	[sflag:s15] =	ssyncadd.s32 $0xFFFFC000  }
0x6a: {  	_ =	swait.ge @!p0 [sflag:s16], $0x400  }
0x6b: {  	[sflag:s16] =	ssyncset.done @!p0 $0x0  }
0x6c: {  	[sflag:s16] =	ssyncadd.s32 @!p0 $0xFFFFFC00  }
0x6d: {  	p1 =	sgt.u32 @!p0 s31, $0x11;
	_ =	swait.ge @!p0 [sflag:s16], $0x400  }
0x6e: {  	p1 =	por p1, p0;
	[sflag:s16] =	ssyncset.done @!p0 $0x0  }
0x6f: {  	[sflag:s16] =	ssyncadd.s32 @!p0 $0xFFFFFC00;
	s16 =	simm.s32 @!p1 $0x0  }
0x70: {  	[tilespmem:s1], [sflag:$0x3] =	stream.linear.gather @!p1 [hbm4b:s29+s16], $0x400, $0x38;
	[tilespmem:$0x1D000] =	vst v63  }
0x71: {  	s31 =	sadd.s32 $0x1, s31  }
0x72: {  	[tilespmem:s0], [sflag:$0x3] =	stream.linear.gather @!p1 [hbm4b:s30+s16], $0x400, $0x38;
	[tilespmem:$0x1D000] =	vst v63  }
0x73: {  	p1 =	sne.s32 @!p0 s31, $0x14  }
0x74: {  	p1 =	por p0, !p1  }
.Ltmp0:
0x75: {  	_ = 	snop;
	(pc) =	sbr.rel @!p1 .LBB2_2-.Ltmp0, $4  }
0x76: {  	_ = 	snop  }
0x77: {  	s28 =	sadd.s32 @!p0 $0x400, s28;
	s29 =	sadd.s32 @!p0 $0x80, s29;
	s0 =	ssub.s32 @!p0 $0x400, s1  }
0x78: {  	s1 =	simm.s32 @!p0 $0x80;
	s16 =	simm.s32 @!p0 $0x1000;
	s30 =	sadd.s32 @!p0 $0x80, s30  }
0x79: {  	[tilespmem:s16], [sflag:$0x1] =	stream.indirect.gather @!p0 [hbm4b:s4+s1], $0x80, s0, s1, $0xb8;
	[tilespmem:$0x1D000] =	vst v63  }
0x7a: {  	s25 =	sadd.s32 $0x1, s25  }
0x7b: {  	p0 =	sne.s32 s25, s12  }
.Ltmp1:
0x7c: {  	[bflag:$0x0] =	sbarrier.arrive $0xFFFF;
	(pc) =	sbr.rel @p0 .LBB2_1-.Ltmp1, $4  }
0x7d: {  	[hbm:s11], [sflag:s21] =	dma.local [spmem:s26], $0x2800  }
0x7e: {  	_ =	swait.ge [sflag:s15], $0x2800  }
0x7f: {  	[sflag:s15] =	ssyncset.done $0x0  }
0x80: {  	[sflag:s15] =	ssyncadd.s32 $0xFFFFD800  }
0x81: {  	_ =	sfence.sel $0x180000  }
0x82: {  	[bflag:$0x0] =	sbarrier.arrive $0xFFFF  }
0x83: {  	_ =	strace $0x9000004A  }
0x84: {  	s0 =	stileid.u32;
	[bflag:$0x2] =	sbarrier.arrive $0xFFFF  }
0x85: {  	p0 =	sne.s32 s0, $0x0;
	s0 =	rddreg [dreg:$0x4]  }
0x86: {  	s0 =	sadd.s32 @!p0 $0x100000, s0  }
0x87: {  	[sflag:s0] =	ssyncadd.tile.s32 @!p0 $0x1;
	_ =	shalt  }
.Lfunc_end2:
_tile_overlayer_lowered:
.L_overlay_start_2:
0x88: {  	(tag) =	ssettag $0x2  }
0x89: {  	s0 =	rddreg [dreg:$0x0];
	s2 =	stileid.u32  }
0x8a: {  	s1 =	rddreg [dreg:$0x1];
	p0 =	sne.s32 s2, $0x0  }
0x8b: {  	s3 =	rddreg [dreg:$0x2];
	[bflag:$0x3] =	sbarrier.arrive $0xFFFF;
	s2 =	simm.s32 @!p0 $0x1C04  }
0x8c: {  	[timem:s3], [sflag:s2] =	dma.local @!p0 [hbm:s0], s1  }
0x8d: {  	s0 =	simm.s32 @!p0 $0x4  }
0x8e: {  	_ =	swait.ge @!p0 [sflag:s0], s1  }
0x8f: {  	s1 =	ssub.s32 @!p0 $0x0, s1;
	[sflag:s0] =	ssyncset.done @!p0 $0x0  }
0x90: {  	[sflag:s0] =	ssyncadd.s32 @!p0 s1  }
0x91: {  	[bflag:$0x3] =	sbarrier.arrive $0xFFFF  }
0x92: {  	_ =	shalt  }

</sc_bundles>
